<compile_context>
chip_gen: v7x
topology: tpu7x:2x2x1
jax: 0.10.2.dev20260603
libtpu: 0.0.44.dev20260713+nightly
codegen_flags: <defaults>
</compile_context>

<pallas_src>
import functools

import jax
import jax.numpy as jnp
from jax import lax
from jax.experimental import pallas as pl
from jax.experimental.pallas import tpu as pltpu
from jax.experimental.pallas import tpu_sc as plsc

D = 32
K = 128
NTILES = 16
DW = 16

_SC_PARAMS = pltpu.CompilerParams(use_tc_tiling_on_sc=False)


def _out_copy(acc, out_hbm, c, s, half):
    big = -(-half // NTILES)
    big += (-big) % 8
    last = half - (NTILES - 1) * big

    @pl.when(s < NTILES - 1)
    def _():
        pltpu.sync_copy(
            acc.at[pl.ds(s * big, big)],
            out_hbm.at[pl.ds(c * half + s * big, big)],
        )

    @pl.when(s == NTILES - 1)
    def _():
        pltpu.sync_copy(
            acc.at[pl.ds((NTILES - 1) * big, last)],
            out_hbm.at[pl.ds(c * half + (NTILES - 1) * big, last)],
        )


def _degree_fn(n_nodes, half, nr, nb):
    zrows = nr // NTILES
    ep = nb * K * NTILES
    mesh = plsc.VectorSubcoreMesh(core_axis_name="c", subcore_axis_name="s")

    @functools.partial(
        pl.kernel,
        out_type=jax.ShapeDtypeStruct((n_nodes, DW), jnp.float32),
        mesh=mesh,
        scratch_types=[
            pltpu.VMEM((1, K), jnp.int32),
            pltpu.VMEM((K, DW), jnp.float32),
            pltpu.VMEM_SHARED((nr, DW), jnp.float32),
        ],
        compiler_params=_SC_PARAMS,
    )
    def deg_kernel(dst_hbm, ones_hbm, zeros_hbm, out_hbm, dst_v, ones_v, acc):
        c = lax.axis_index("c")
        s = lax.axis_index("s")
        pltpu.sync_copy(ones_hbm, ones_v)
        pltpu.sync_copy(zeros_hbm, acc.at[pl.ds(s * zrows, zrows)])
        plsc.subcore_barrier()
        tile_base = c * ep + s * (nb * K)

        @pl.loop(0, nb)
        def _(b):
            pltpu.sync_copy(dst_hbm.at[pl.ds(tile_base + b * K, K)], dst_v.at[0])
            pltpu.sync_copy(ones_v, acc.at[dst_v.at[0]], add=True)

        plsc.subcore_barrier()
        _out_copy(acc, out_hbm, c, s, half)

    return deg_kernel


def _propagate_fn(n_nodes, half, nr, nb):
    zrows = nr // NTILES
    ep = nb * K * NTILES
    mesh = plsc.VectorSubcoreMesh(core_axis_name="c", subcore_axis_name="s")

    @functools.partial(
        pl.kernel,
        out_type=jax.ShapeDtypeStruct((n_nodes, D), jnp.float32),
        mesh=mesh,
        scratch_types=[
            pltpu.VMEM((1, K), jnp.int32),
            pltpu.VMEM((1, K), jnp.int32),
            pltpu.VMEM((K, D), jnp.float32),
            pltpu.VMEM_SHARED((nr, D), jnp.float32),
            pltpu.SemaphoreType.DMA,
        ],
        compiler_params=_SC_PARAMS,
    )
    def prop_kernel(y_hbm, src_hbm, dst_hbm, zeros_hbm, out_hbm,
                    src_v, dst_v, rows_v, acc, sem):
        c = lax.axis_index("c")
        s = lax.axis_index("s")
        pltpu.sync_copy(zeros_hbm, acc.at[pl.ds(s * zrows, zrows)])
        plsc.subcore_barrier()
        tile_base = c * ep + s * (nb * K)

        @pl.loop(0, nb)
        def _(b):
            off = tile_base + b * K
            pltpu.sync_copy(src_hbm.at[pl.ds(off, K)], src_v.at[0])
            pltpu.sync_copy(dst_hbm.at[pl.ds(off, K)], dst_v.at[0])
            pltpu.async_copy(y_hbm.at[src_v.at[0]], rows_v, sem).wait()
            pltpu.sync_copy(rows_v, acc.at[dst_v.at[0]], add=True)

        plsc.subcore_barrier()
        _out_copy(acc, out_hbm, c, s, half)

    return prop_kernel


def _scale0(deg16, emb, br=2000):
    n = emb.shape[0]

    def body(deg_ref, emb_ref, s_ref, y_ref):
        d = deg_ref[:, 0:1]
        d = jnp.where(d == 0.0, 1e-12, d)
        sv = lax.rsqrt(d)
        s_ref[...] = sv
        y_ref[...] = emb_ref[...] * sv

    return pl.pallas_call(
        body,
        grid=(n // br,),
        in_specs=[
            pl.BlockSpec((br, DW), lambda i: (i, 0)),
            pl.BlockSpec((br, D), lambda i: (i, 0)),
        ],
        out_specs=[
            pl.BlockSpec((br, 1), lambda i: (i, 0)),
            pl.BlockSpec((br, D), lambda i: (i, 0)),
        ],
        out_shape=[
            jax.ShapeDtypeStruct((n, 1), jnp.float32),
            jax.ShapeDtypeStruct((n, D), jnp.float32),
        ],
    )(deg16, emb)


def _scale_mid(s, acc1, x0, br=2000):
    n = x0.shape[0]

    def body(s_ref, a_ref, x0_ref, y_ref, r_ref):
        sv = s_ref[...]
        x1 = sv * a_ref[...]
        y_ref[...] = sv * x1
        r_ref[...] = x0_ref[...] + x1

    return pl.pallas_call(
        body,
        grid=(n // br,),
        in_specs=[
            pl.BlockSpec((br, 1), lambda i: (i, 0)),
            pl.BlockSpec((br, D), lambda i: (i, 0)),
            pl.BlockSpec((br, D), lambda i: (i, 0)),
        ],
        out_specs=[
            pl.BlockSpec((br, D), lambda i: (i, 0)),
            pl.BlockSpec((br, D), lambda i: (i, 0)),
        ],
        out_shape=[
            jax.ShapeDtypeStruct((n, D), jnp.float32),
            jax.ShapeDtypeStruct((n, D), jnp.float32),
        ],
    )(s, acc1, x0)


def _scale_fin(s, acc2, r1, br=2000):
    n = r1.shape[0]

    def body(s_ref, a_ref, r_ref, f_ref):
        f_ref[...] = (r_ref[...] + s_ref[...] * a_ref[...]) * (1.0 / 3.0)

    return pl.pallas_call(
        body,
        grid=(n // br,),
        in_specs=[
            pl.BlockSpec((br, 1), lambda i: (i, 0)),
            pl.BlockSpec((br, D), lambda i: (i, 0)),
            pl.BlockSpec((br, D), lambda i: (i, 0)),
        ],
        out_specs=pl.BlockSpec((br, D), lambda i: (i, 0)),
        out_shape=jax.ShapeDtypeStruct((n, D), jnp.float32),
    )(s, acc2, r1)


def kernel(user_emb, item_emb, rows, cols):
    nu = user_emb.shape[0]
    ni = item_emb.shape[0]
    n = nu + ni
    e = rows.shape[0]
    half = nu

    rows32 = rows.astype(jnp.int32)
    cols32 = cols.astype(jnp.int32)

    nb = -(-e // (NTILES * K))
    ep = nb * K * NTILES
    pad = ep - e
    dummy = half
    nr = half + 8
    nr += (-nr) % (NTILES * 8)

    def _pad(x, fill):
        return jnp.concatenate([x, jnp.full((pad,), fill, jnp.int32)]) if pad else x

    src2 = jnp.concatenate([_pad(cols32 + nu, 0), _pad(rows32, 0)])
    dst2 = jnp.concatenate([_pad(rows32, dummy), _pad(cols32, dummy)])

    zrows = nr // NTILES
    zeros_d = jnp.zeros((zrows, D), jnp.float32)
    zeros_w = jnp.zeros((zrows, DW), jnp.float32)
    ones_w = jnp.ones((K, DW), jnp.float32)

    deg16 = _degree_fn(n, half, nr, nb)(dst2, ones_w, zeros_w)

    x0 = jnp.concatenate([user_emb, item_emb], axis=0)
    s, y0 = _scale0(deg16, x0)

    prop = _propagate_fn(n, half, nr, nb)
    acc1 = prop(y0, src2, dst2, zeros_d)
    y1, r1 = _scale_mid(s, acc1, x0)
    acc2 = prop(y1, src2, dst2, zeros_d)
    final = _scale_fin(s, acc2, r1)

    return final[:nu], final[nu:]

# --- scband reference (transcript-rebuilt; emitter-appended) ---
"""Pipeline reference for scband-light-gcn-22892175688058 (READ-ONLY COPY).

The authoritative reference and input builder live on the scoring server;
editing this copy changes nothing except your own understanding.
"""

import jax, jax.numpy as jnp
import numpy as np

NUM_USERS = 50000
NUM_ITEMS = 50000
EMB_DIM = 32
NNZ = 800000
NUM_LAYERS = 2


def setup_inputs(seed: int = 0) -> dict:
    key = jax.random.key(seed)
    k1, k2, k3, k4 = jax.random.split(key, 4)
    # xavier_uniform init for the embedding tables (learned parameters)
    bound_u = float(np.sqrt(6.0 / (NUM_USERS + EMB_DIM)))
    bound_i = float(np.sqrt(6.0 / (NUM_ITEMS + EMB_DIM)))
    user_emb = jax.random.uniform(k1, (NUM_USERS, EMB_DIM), minval=-bound_u, maxval=bound_u, dtype=jnp.float32)
    item_emb = jax.random.uniform(k2, (NUM_ITEMS, EMB_DIM), minval=-bound_i, maxval=bound_i, dtype=jnp.float32)
    # COO coordinates of the user-item interaction matrix R (nnz = 800k)
    rows = jax.random.randint(k3, (NNZ,), 0, NUM_USERS)
    cols = jax.random.randint(k4, (NNZ,), 0, NUM_ITEMS)
    return {"user_emb": user_emb, "item_emb": item_emb, "rows": rows, "cols": cols}


def reference(user_emb, item_emb, rows, cols):
    num_users = user_emb.shape[0]
    num_items = item_emb.shape[0]
    N = num_users + num_items
    # Symmetrize: A = [[0, R], [R^T, 0]] in COO form
    a_rows = jnp.concatenate([rows, cols + num_users])
    a_cols = jnp.concatenate([cols + num_users, rows])
    # Degree (row sums of A; data entries are all ones, duplicates summed as in CSR build)
    deg = jnp.zeros((N,), dtype=jnp.float32).at[a_rows].add(1.0)
    deg = jnp.where(deg == 0, 1e-12, deg)
    d_inv_sqrt = deg ** -0.5
    d_inv_sqrt = jnp.where(jnp.isinf(d_inv_sqrt), 0.0, d_inv_sqrt)
    # Normalized adjacency values: D^{-1/2} A D^{-1/2}
    vals = d_inv_sqrt[a_rows] * d_inv_sqrt[a_cols]
    # LightGCN propagation
    all_emb = jnp.concatenate([user_emb, item_emb], axis=0)
    embeddings_list = [all_emb]
    for _ in range(NUM_LAYERS):
        gathered = jnp.take(all_emb, a_cols, axis=0)
        all_emb = jax.ops.segment_sum(vals[:, None] * gathered, a_rows, num_segments=N)
        embeddings_list.append(all_emb)
    final = jnp.mean(jnp.stack(embeddings_list, axis=1), axis=1)
    final_user_emb = final[:num_users]
    final_item_emb = final[num_users:]
    return (final_user_emb, final_item_emb)

if __name__ == "__main__":
    import jax
    _d = setup_inputs()
    print(jax.jit(kernel)(*tuple(_d.values())))

</pallas_src>

<mosaic_0001>
#map = affine_map<(d0, d1) -> (0, 0)>
#map1 = affine_map<(d0, d1) -> (0)>
module attributes {stable_mosaic.version = 14 : i64} {
  func.func @prop_kernel(%arg0: i32, %arg1: i32, %arg2: memref<100000x32xf32, #tpu.memory_space<hbm>>, %arg3: memref<1601536xi32, #tpu.memory_space<hbm>>, %arg4: memref<1601536xi32, #tpu.memory_space<hbm>>, %arg5: memref<3128x32xf32, #tpu.memory_space<hbm>>, %arg6: memref<100000x32xf32, #tpu.memory_space<hbm>>, %arg7: memref<1x128xi32, #tpu.memory_space<vmem>>, %arg8: memref<1x128xi32, #tpu.memory_space<vmem>>, %arg9: memref<128x32xf32, #tpu.memory_space<vmem>>, %arg10: memref<50048x32xf32, #tpu.memory_space<vmem_shared>>, %arg11: memref<!tpu.dma_semaphore, #tpu.memory_space<semaphore_mem>>) attributes {dimension_semantics = [#tpu.dimension_semantics<core_parallel>, #tpu.dimension_semantics<subcore_parallel>], iteration_bounds = array<i64: 2, 16>, scalar_prefetch = 0 : i64, scratch_operands = 5 : i64, tpu.core_type = #tpu.core_type<sc_vector_subcore>, window_params = [{transform_indices = #map}, {transform_indices = #map1}, {transform_indices = #map1}, {transform_indices = #map}, {transform_indices = #map}]} {
    %mul3A = arith.constant 3128 : i32
    %mul3A_0 = arith.muli %arg1, %mul3A : i32
    "tpu.region"() ({
      %run_scoped3A = tpu.sem_alloc : memref<!tpu.dma_semaphore, #tpu.memory_space<semaphore_mem>>
      %dma_start3A = arith.constant 0 : i32
      %dma_start3A_16 = tpu.memref_slice %arg10[%mul3A_0, %dma_start3A] : memref<50048x32xf32, #tpu.memory_space<vmem_shared>> -> memref<3128x32xf32, #tpu.memory_space<vmem_shared>>
      tpu.enqueue_dma source(%arg5 : memref<3128x32xf32, #tpu.memory_space<hbm>>) target(%dma_start3A_16 : memref<3128x32xf32, #tpu.memory_space<vmem_shared>>) target_semaphore(%run_scoped3A : memref<!tpu.dma_semaphore, #tpu.memory_space<semaphore_mem>>)
      %dma_wait3A = arith.constant 0 : i32
      %dma_wait3A_17 = tpu.memref_slice %arg10[%mul3A_0, %dma_wait3A] : memref<50048x32xf32, #tpu.memory_space<vmem_shared>> -> memref<3128x32xf32, #tpu.memory_space<vmem_shared>>
      tpu.wait_dma2 semaphore(%run_scoped3A : memref<!tpu.dma_semaphore, #tpu.memory_space<semaphore_mem>>) src(%arg5 : memref<3128x32xf32, #tpu.memory_space<hbm>>) dst(%dma_wait3A_17 : memref<3128x32xf32, #tpu.memory_space<vmem_shared>>)
      tpu.yield
    }) : () -> ()
    %barrier3A = arith.constant 0 : index
    tpu.barrier barrier_id(%barrier3A)
    %mul3A_1 = arith.constant 800768 : i32
    %mul3A_2 = arith.muli %arg0, %mul3A_1 : i32
    %mul3A_3 = arith.constant 50048 : i32
    %mul3A_4 = arith.muli %arg1, %mul3A_3 : i32
    %add3A = arith.addi %mul3A_2, %mul3A_4 : i32
    %scan3A = arith.constant 0 : i32
    %scan3A_5 = arith.constant 391 : i32
    %scan3A_6 = arith.addi %scan3A, %scan3A_5 : i32
    %scan3A_7 = arith.constant 1 : i32
    scf.for %scan3A_16 = %scan3A to %scan3A_6 step %scan3A_7  : i32 {
      %mul3A_17 = arith.constant 1 : i32
      %mul3A_18 = arith.muli %scan3A_16, %mul3A_17 : i32
      %add3A_19 = arith.constant 0 : i32
      %add3A_20 = arith.addi %add3A_19, %mul3A_18 : i32
      %mul3A_21 = arith.constant 128 : i32
      %mul3A_22 = arith.muli %add3A_20, %mul3A_21 : i32
      %add3A_23 = arith.addi %add3A, %mul3A_22 : i32
      %run_scoped3A = arith.constant 0 : i32
      "tpu.region"() ({
        %run_scoped3A_38 = tpu.sem_alloc : memref<!tpu.dma_semaphore, #tpu.memory_space<semaphore_mem>>
        %dma_start3A_39 = arith.constant 0 : i32
        %dma_start3A_40 = tpu.memref_slice %arg7[%run_scoped3A, %dma_start3A_39] : memref<1x128xi32, #tpu.memory_space<vmem>> -> memref<1x128xi32, #tpu.memory_space<vmem>>
        %dma_start3A_41 = tpu.memref_squeeze %dma_start3A_40 : memref<1x128xi32, #tpu.memory_space<vmem>> -> memref<128xi32, #tpu.memory_space<vmem>>
        %dma_start3A_42 = tpu.memref_slice %arg3[%add3A_23] : memref<1601536xi32, #tpu.memory_space<hbm>> -> memref<128xi32, #tpu.memory_space<hbm>>
        %dma_start3A_43 = arith.constant 0 : i32
        %dma_start3A_44 = tpu.memref_slice %arg7[%run_scoped3A, %dma_start3A_43] : memref<1x128xi32, #tpu.memory_space<vmem>> -> memref<1x128xi32, #tpu.memory_space<vmem>>
        %dma_start3A_45 = tpu.memref_squeeze %dma_start3A_44 : memref<1x128xi32, #tpu.memory_space<vmem>> -> memref<128xi32, #tpu.memory_space<vmem>>
        %dma_start3A_46 = tpu.memref_slice %arg3[%add3A_23] : memref<1601536xi32, #tpu.memory_space<hbm>> -> memref<128xi32, #tpu.memory_space<hbm>>
        tpu.enqueue_dma source(%dma_start3A_46 : memref<128xi32, #tpu.memory_space<hbm>>) target(%dma_start3A_45 : memref<128xi32, #tpu.memory_space<vmem>>) target_semaphore(%run_scoped3A_38 : memref<!tpu.dma_semaphore, #tpu.memory_space<semaphore_mem>>)
        %dma_wait3A_47 = arith.constant 0 : i32
        %dma_wait3A_48 = tpu.memref_slice %arg7[%run_scoped3A, %dma_wait3A_47] : memref<1x128xi32, #tpu.memory_space<vmem>> -> memref<1x128xi32, #tpu.memory_space<vmem>>
        %dma_wait3A_49 = tpu.memref_squeeze %dma_wait3A_48 : memref<1x128xi32, #tpu.memory_space<vmem>> -> memref<128xi32, #tpu.memory_space<vmem>>
        %dma_wait3A_50 = tpu.memref_slice %arg3[%add3A_23] : memref<1601536xi32, #tpu.memory_space<hbm>> -> memref<128xi32, #tpu.memory_space<hbm>>
        %dma_wait3A_51 = arith.constant 0 : i32
        %dma_wait3A_52 = tpu.memref_slice %arg7[%run_scoped3A, %dma_wait3A_51] : memref<1x128xi32, #tpu.memory_space<vmem>> -> memref<1x128xi32, #tpu.memory_space<vmem>>
        %dma_wait3A_53 = tpu.memref_squeeze %dma_wait3A_52 : memref<1x128xi32, #tpu.memory_space<vmem>> -> memref<128xi32, #tpu.memory_space<vmem>>
        %dma_wait3A_54 = tpu.memref_slice %arg3[%add3A_23] : memref<1601536xi32, #tpu.memory_space<hbm>> -> memref<128xi32, #tpu.memory_space<hbm>>
        tpu.wait_dma2 semaphore(%run_scoped3A_38 : memref<!tpu.dma_semaphore, #tpu.memory_space<semaphore_mem>>) src(%dma_wait3A_54 : memref<128xi32, #tpu.memory_space<hbm>>) dst(%dma_wait3A_53 : memref<128xi32, #tpu.memory_space<vmem>>)
        tpu.yield
      }) : () -> ()
      %run_scoped3A_24 = arith.constant 0 : i32
      "tpu.region"() ({
        %run_scoped3A_38 = tpu.sem_alloc : memref<!tpu.dma_semaphore, #tpu.memory_space<semaphore_mem>>
        %dma_start3A_39 = arith.constant 0 : i32
        %dma_start3A_40 = tpu.memref_slice %arg8[%run_scoped3A_24, %dma_start3A_39] : memref<1x128xi32, #tpu.memory_space<vmem>> -> memref<1x128xi32, #tpu.memory_space<vmem>>
        %dma_start3A_41 = tpu.memref_squeeze %dma_start3A_40 : memref<1x128xi32, #tpu.memory_space<vmem>> -> memref<128xi32, #tpu.memory_space<vmem>>
        %dma_start3A_42 = tpu.memref_slice %arg4[%add3A_23] : memref<1601536xi32, #tpu.memory_space<hbm>> -> memref<128xi32, #tpu.memory_space<hbm>>
        %dma_start3A_43 = arith.constant 0 : i32
        %dma_start3A_44 = tpu.memref_slice %arg8[%run_scoped3A_24, %dma_start3A_43] : memref<1x128xi32, #tpu.memory_space<vmem>> -> memref<1x128xi32, #tpu.memory_space<vmem>>
        %dma_start3A_45 = tpu.memref_squeeze %dma_start3A_44 : memref<1x128xi32, #tpu.memory_space<vmem>> -> memref<128xi32, #tpu.memory_space<vmem>>
        %dma_start3A_46 = tpu.memref_slice %arg4[%add3A_23] : memref<1601536xi32, #tpu.memory_space<hbm>> -> memref<128xi32, #tpu.memory_space<hbm>>
        tpu.enqueue_dma source(%dma_start3A_46 : memref<128xi32, #tpu.memory_space<hbm>>) target(%dma_start3A_45 : memref<128xi32, #tpu.memory_space<vmem>>) target_semaphore(%run_scoped3A_38 : memref<!tpu.dma_semaphore, #tpu.memory_space<semaphore_mem>>)
        %dma_wait3A_47 = arith.constant 0 : i32
        %dma_wait3A_48 = tpu.memref_slice %arg8[%run_scoped3A_24, %dma_wait3A_47] : memref<1x128xi32, #tpu.memory_space<vmem>> -> memref<1x128xi32, #tpu.memory_space<vmem>>
        %dma_wait3A_49 = tpu.memref_squeeze %dma_wait3A_48 : memref<1x128xi32, #tpu.memory_space<vmem>> -> memref<128xi32, #tpu.memory_space<vmem>>
        %dma_wait3A_50 = tpu.memref_slice %arg4[%add3A_23] : memref<1601536xi32, #tpu.memory_space<hbm>> -> memref<128xi32, #tpu.memory_space<hbm>>
        %dma_wait3A_51 = arith.constant 0 : i32
        %dma_wait3A_52 = tpu.memref_slice %arg8[%run_scoped3A_24, %dma_wait3A_51] : memref<1x128xi32, #tpu.memory_space<vmem>> -> memref<1x128xi32, #tpu.memory_space<vmem>>
        %dma_wait3A_53 = tpu.memref_squeeze %dma_wait3A_52 : memref<1x128xi32, #tpu.memory_space<vmem>> -> memref<128xi32, #tpu.memory_space<vmem>>
        %dma_wait3A_54 = tpu.memref_slice %arg4[%add3A_23] : memref<1601536xi32, #tpu.memory_space<hbm>> -> memref<128xi32, #tpu.memory_space<hbm>>
        tpu.wait_dma2 semaphore(%run_scoped3A_38 : memref<!tpu.dma_semaphore, #tpu.memory_space<semaphore_mem>>) src(%dma_wait3A_54 : memref<128xi32, #tpu.memory_space<hbm>>) dst(%dma_wait3A_53 : memref<128xi32, #tpu.memory_space<vmem>>)
        tpu.yield
      }) : () -> ()
      %dma_start3A = arith.constant 0 : i32
      %dma_start3A_25 = arith.constant 0 : i32
      %dma_start3A_26 = tpu.memref_slice %arg7[%dma_start3A, %dma_start3A_25] : memref<1x128xi32, #tpu.memory_space<vmem>> -> memref<1x128xi32, #tpu.memory_space<vmem>>
      %dma_start3A_27 = tpu.memref_squeeze %dma_start3A_26 : memref<1x128xi32, #tpu.memory_space<vmem>> -> memref<128xi32, #tpu.memory_space<vmem>>
      %dma_start3A_28 = arith.constant 0 : i32
      %dma_start3A_29 = arith.constant 0 : i32
      %dma_start3A_30 = tpu.memref_slice %arg2[%dma_start3A_28, %dma_start3A_29] : memref<100000x32xf32, #tpu.memory_space<hbm>> -> memref<100000x32xf32, #tpu.memory_space<hbm>>
      tpu.enqueue_indirect_dma source(%dma_start3A_30 : memref<100000x32xf32, #tpu.memory_space<hbm>>) target(%arg9 : memref<128x32xf32, #tpu.memory_space<vmem>>) offsets(%dma_start3A_27 : memref<128xi32, #tpu.memory_space<vmem>>) semaphore(%arg11 : memref<!tpu.dma_semaphore, #tpu.memory_space<semaphore_mem>>)
      %dma_wait3A = arith.constant 0 : i32
      %dma_wait3A_31 = arith.constant 0 : i32
      %dma_wait3A_32 = tpu.memref_slice %arg7[%dma_wait3A, %dma_wait3A_31] : memref<1x128xi32, #tpu.memory_space<vmem>> -> memref<1x128xi32, #tpu.memory_space<vmem>>
      %dma_wait3A_33 = tpu.memref_squeeze %dma_wait3A_32 : memref<1x128xi32, #tpu.memory_space<vmem>> -> memref<128xi32, #tpu.memory_space<vmem>>
      %dma_wait3A_34 = arith.constant 0 : i32
      %dma_wait3A_35 = arith.constant 0 : i32
      %dma_wait3A_36 = tpu.memref_slice %arg2[%dma_wait3A_34, %dma_wait3A_35] : memref<100000x32xf32, #tpu.memory_space<hbm>> -> memref<100000x32xf32, #tpu.memory_space<hbm>>
      tpu.wait_indirect_dma semaphore(%arg11 : memref<!tpu.dma_semaphore, #tpu.memory_space<semaphore_mem>>) src(%dma_wait3A_36 : memref<100000x32xf32, #tpu.memory_space<hbm>>) dst(%arg9 : memref<128x32xf32, #tpu.memory_space<vmem>>)
      %run_scoped3A_37 = arith.constant 0 : i32
      "tpu.region"() ({
        %run_scoped3A_38 = tpu.sem_alloc : memref<!tpu.dma_semaphore, #tpu.memory_space<semaphore_mem>>
        %dma_start3A_39 = arith.constant 0 : i32
        %dma_start3A_40 = tpu.memref_slice %arg8[%run_scoped3A_37, %dma_start3A_39] : memref<1x128xi32, #tpu.memory_space<vmem>> -> memref<1x128xi32, #tpu.memory_space<vmem>>
        %dma_start3A_41 = tpu.memref_squeeze %dma_start3A_40 : memref<1x128xi32, #tpu.memory_space<vmem>> -> memref<128xi32, #tpu.memory_space<vmem>>
        %dma_start3A_42 = arith.constant 0 : i32
        %dma_start3A_43 = arith.constant 0 : i32
        %dma_start3A_44 = tpu.memref_slice %arg10[%dma_start3A_42, %dma_start3A_43] : memref<50048x32xf32, #tpu.memory_space<vmem_shared>> -> memref<50048x32xf32, #tpu.memory_space<vmem_shared>>
        tpu.enqueue_indirect_dma source(%arg9 : memref<128x32xf32, #tpu.memory_space<vmem>>) target(%dma_start3A_44 : memref<50048x32xf32, #tpu.memory_space<vmem_shared>>) offsets(%dma_start3A_41 : memref<128xi32, #tpu.memory_space<vmem>>) semaphore(%run_scoped3A_38 : memref<!tpu.dma_semaphore, #tpu.memory_space<semaphore_mem>>) {add = true}
        %dma_wait3A_45 = arith.constant 0 : i32
        %dma_wait3A_46 = tpu.memref_slice %arg8[%run_scoped3A_37, %dma_wait3A_45] : memref<1x128xi32, #tpu.memory_space<vmem>> -> memref<1x128xi32, #tpu.memory_space<vmem>>
        %dma_wait3A_47 = tpu.memref_squeeze %dma_wait3A_46 : memref<1x128xi32, #tpu.memory_space<vmem>> -> memref<128xi32, #tpu.memory_space<vmem>>
        %dma_wait3A_48 = arith.constant 0 : i32
        %dma_wait3A_49 = arith.constant 0 : i32
        %dma_wait3A_50 = tpu.memref_slice %arg10[%dma_wait3A_48, %dma_wait3A_49] : memref<50048x32xf32, #tpu.memory_space<vmem_shared>> -> memref<50048x32xf32, #tpu.memory_space<vmem_shared>>
        tpu.wait_indirect_dma semaphore(%run_scoped3A_38 : memref<!tpu.dma_semaphore, #tpu.memory_space<semaphore_mem>>) src(%arg9 : memref<128x32xf32, #tpu.memory_space<vmem>>) dst(%dma_wait3A_50 : memref<50048x32xf32, #tpu.memory_space<vmem_shared>>)
        tpu.yield
      }) : () -> ()
    }
    %scan3A_8 = arith.constant 391 : i32
    %barrier3A_9 = arith.constant 0 : index
    tpu.barrier barrier_id(%barrier3A_9)
    %lt3A = arith.constant 15 : i32
    %lt3A_10 = arith.cmpi slt, %arg1, %lt3A : i32
    %convert_element_type3A = arith.extui %lt3A_10 : i1 to i32
    %cond3A = arith.constant 0 : i32
    %cond3A_11 = arith.cmpi ne, %convert_element_type3A, %cond3A : i32
    scf.if %cond3A_11 {
      %mul3A_16 = arith.constant 3128 : i32
      %mul3A_17 = arith.muli %arg1, %mul3A_16 : i32
      %mul3A_18 = arith.constant 50000 : i32
      %mul3A_19 = arith.muli %arg0, %mul3A_18 : i32
      %mul3A_20 = arith.constant 3128 : i32
      %mul3A_21 = arith.muli %arg1, %mul3A_20 : i32
      %add3A_22 = arith.addi %mul3A_19, %mul3A_21 : i32
      "tpu.region"() ({
        %run_scoped3A = tpu.sem_alloc : memref<!tpu.dma_semaphore, #tpu.memory_space<semaphore_mem>>
        %dma_start3A = arith.constant 0 : i32
        %dma_start3A_23 = tpu.memref_slice %arg6[%add3A_22, %dma_start3A] : memref<100000x32xf32, #tpu.memory_space<hbm>> -> memref<3128x32xf32, #tpu.memory_space<hbm>>
        %dma_start3A_24 = arith.constant 0 : i32
        %dma_start3A_25 = tpu.memref_slice %arg10[%mul3A_17, %dma_start3A_24] : memref<50048x32xf32, #tpu.memory_space<vmem_shared>> -> memref<3128x32xf32, #tpu.memory_space<vmem_shared>>
        tpu.enqueue_dma source(%dma_start3A_25 : memref<3128x32xf32, #tpu.memory_space<vmem_shared>>) target(%dma_start3A_23 : memref<3128x32xf32, #tpu.memory_space<hbm>>) target_semaphore(%run_scoped3A : memref<!tpu.dma_semaphore, #tpu.memory_space<semaphore_mem>>)
        %dma_wait3A = arith.constant 0 : i32
        %dma_wait3A_26 = tpu.memref_slice %arg6[%add3A_22, %dma_wait3A] : memref<100000x32xf32, #tpu.memory_space<hbm>> -> memref<3128x32xf32, #tpu.memory_space<hbm>>
        %dma_wait3A_27 = arith.constant 0 : i32
        %dma_wait3A_28 = tpu.memref_slice %arg10[%mul3A_17, %dma_wait3A_27] : memref<50048x32xf32, #tpu.memory_space<vmem_shared>> -> memref<3128x32xf32, #tpu.memory_space<vmem_shared>>
        tpu.wait_dma2 semaphore(%run_scoped3A : memref<!tpu.dma_semaphore, #tpu.memory_space<semaphore_mem>>) src(%dma_wait3A_28 : memref<3128x32xf32, #tpu.memory_space<vmem_shared>>) dst(%dma_wait3A_26 : memref<3128x32xf32, #tpu.memory_space<hbm>>)
        tpu.yield
      }) : () -> ()
    } else {
    }
    %eq3A = arith.constant 15 : i32
    %eq3A_12 = arith.cmpi eq, %arg1, %eq3A : i32
    %convert_element_type3A_13 = arith.extui %eq3A_12 : i1 to i32
    %cond3A_14 = arith.constant 0 : i32
    %cond3A_15 = arith.cmpi ne, %convert_element_type3A_13, %cond3A_14 : i32
    scf.if %cond3A_15 {
      %mul3A_16 = arith.constant 50000 : i32
      %mul3A_17 = arith.muli %arg0, %mul3A_16 : i32
      %add3A_18 = arith.constant 46920 : i32
      %add3A_19 = arith.addi %mul3A_17, %add3A_18 : i32
      "tpu.region"() ({
        %run_scoped3A = tpu.sem_alloc : memref<!tpu.dma_semaphore, #tpu.memory_space<semaphore_mem>>
        %dma_start3A = arith.constant 0 : i32
        %dma_start3A_20 = tpu.memref_slice %arg6[%add3A_19, %dma_start3A] : memref<100000x32xf32, #tpu.memory_space<hbm>> -> memref<3080x32xf32, #tpu.memory_space<hbm>>
        %dma_start3A_21 = arith.constant 46920 : i32
        %dma_start3A_22 = arith.constant 0 : i32
        %dma_start3A_23 = tpu.memref_slice %arg10[%dma_start3A_21, %dma_start3A_22] : memref<50048x32xf32, #tpu.memory_space<vmem_shared>> -> memref<3080x32xf32, #tpu.memory_space<vmem_shared>>
        tpu.enqueue_dma source(%dma_start3A_23 : memref<3080x32xf32, #tpu.memory_space<vmem_shared>>) target(%dma_start3A_20 : memref<3080x32xf32, #tpu.memory_space<hbm>>) target_semaphore(%run_scoped3A : memref<!tpu.dma_semaphore, #tpu.memory_space<semaphore_mem>>)
        %dma_wait3A = arith.constant 0 : i32
        %dma_wait3A_24 = tpu.memref_slice %arg6[%add3A_19, %dma_wait3A] : memref<100000x32xf32, #tpu.memory_space<hbm>> -> memref<3080x32xf32, #tpu.memory_space<hbm>>
        %dma_wait3A_25 = arith.constant 46920 : i32
        %dma_wait3A_26 = arith.constant 0 : i32
        %dma_wait3A_27 = tpu.memref_slice %arg10[%dma_wait3A_25, %dma_wait3A_26] : memref<50048x32xf32, #tpu.memory_space<vmem_shared>> -> memref<3080x32xf32, #tpu.memory_space<vmem_shared>>
        tpu.wait_dma2 semaphore(%run_scoped3A : memref<!tpu.dma_semaphore, #tpu.memory_space<semaphore_mem>>) src(%dma_wait3A_27 : memref<3080x32xf32, #tpu.memory_space<vmem_shared>>) dst(%dma_wait3A_24 : memref<3080x32xf32, #tpu.memory_space<hbm>>)
        tpu.yield
      }) : () -> ()
    } else {
    }
    return
  }
}

#map = affine_map<(d0, d1) -> (0)>
#map1 = affine_map<(d0, d1) -> (0, 0)>
module attributes {stable_mosaic.version = 14 : i64} {
  func.func @deg_kernel(%arg0: i32, %arg1: i32, %arg2: memref<1601536xi32, #tpu.memory_space<hbm>>, %arg3: memref<128x16xf32, #tpu.memory_space<hbm>>, %arg4: memref<3128x16xf32, #tpu.memory_space<hbm>>, %arg5: memref<100000x16xf32, #tpu.memory_space<hbm>>, %arg6: memref<1x128xi32, #tpu.memory_space<vmem>>, %arg7: memref<128x16xf32, #tpu.memory_space<vmem>>, %arg8: memref<50048x16xf32, #tpu.memory_space<vmem_shared>>) attributes {dimension_semantics = [#tpu.dimension_semantics<core_parallel>, #tpu.dimension_semantics<subcore_parallel>], iteration_bounds = array<i64: 2, 16>, scalar_prefetch = 0 : i64, scratch_operands = 3 : i64, tpu.core_type = #tpu.core_type<sc_vector_subcore>, window_params = [{transform_indices = #map}, {transform_indices = #map1}, {transform_indices = #map1}, {transform_indices = #map1}]} {
    "tpu.region"() ({
      %run_scoped3A = tpu.sem_alloc : memref<!tpu.dma_semaphore, #tpu.memory_space<semaphore_mem>>
      tpu.enqueue_dma source(%arg3 : memref<128x16xf32, #tpu.memory_space<hbm>>) target(%arg7 : memref<128x16xf32, #tpu.memory_space<vmem>>) target_semaphore(%run_scoped3A : memref<!tpu.dma_semaphore, #tpu.memory_space<semaphore_mem>>)
      tpu.wait_dma2 semaphore(%run_scoped3A : memref<!tpu.dma_semaphore, #tpu.memory_space<semaphore_mem>>) src(%arg3 : memref<128x16xf32, #tpu.memory_space<hbm>>) dst(%arg7 : memref<128x16xf32, #tpu.memory_space<vmem>>)
      tpu.yield
    }) : () -> ()
    %mul3A = arith.constant 3128 : i32
    %mul3A_0 = arith.muli %arg1, %mul3A : i32
    "tpu.region"() ({
      %run_scoped3A = tpu.sem_alloc : memref<!tpu.dma_semaphore, #tpu.memory_space<semaphore_mem>>
      %dma_start3A = arith.constant 0 : i32
      %dma_start3A_16 = tpu.memref_slice %arg8[%mul3A_0, %dma_start3A] : memref<50048x16xf32, #tpu.memory_space<vmem_shared>> -> memref<3128x16xf32, #tpu.memory_space<vmem_shared>>
      tpu.enqueue_dma source(%arg4 : memref<3128x16xf32, #tpu.memory_space<hbm>>) target(%dma_start3A_16 : memref<3128x16xf32, #tpu.memory_space<vmem_shared>>) target_semaphore(%run_scoped3A : memref<!tpu.dma_semaphore, #tpu.memory_space<semaphore_mem>>)
      %dma_wait3A = arith.constant 0 : i32
      %dma_wait3A_17 = tpu.memref_slice %arg8[%mul3A_0, %dma_wait3A] : memref<50048x16xf32, #tpu.memory_space<vmem_shared>> -> memref<3128x16xf32, #tpu.memory_space<vmem_shared>>
      tpu.wait_dma2 semaphore(%run_scoped3A : memref<!tpu.dma_semaphore, #tpu.memory_space<semaphore_mem>>) src(%arg4 : memref<3128x16xf32, #tpu.memory_space<hbm>>) dst(%dma_wait3A_17 : memref<3128x16xf32, #tpu.memory_space<vmem_shared>>)
      tpu.yield
    }) : () -> ()
    %barrier3A = arith.constant 0 : index
    tpu.barrier barrier_id(%barrier3A)
    %mul3A_1 = arith.constant 800768 : i32
    %mul3A_2 = arith.muli %arg0, %mul3A_1 : i32
    %mul3A_3 = arith.constant 50048 : i32
    %mul3A_4 = arith.muli %arg1, %mul3A_3 : i32
    %add3A = arith.addi %mul3A_2, %mul3A_4 : i32
    %scan3A = arith.constant 0 : i32
    %scan3A_5 = arith.constant 391 : i32
    %scan3A_6 = arith.addi %scan3A, %scan3A_5 : i32
    %scan3A_7 = arith.constant 1 : i32
    scf.for %scan3A_16 = %scan3A to %scan3A_6 step %scan3A_7  : i32 {
      %mul3A_17 = arith.constant 1 : i32
      %mul3A_18 = arith.muli %scan3A_16, %mul3A_17 : i32
      %add3A_19 = arith.constant 0 : i32
      %add3A_20 = arith.addi %add3A_19, %mul3A_18 : i32
      %mul3A_21 = arith.constant 128 : i32
      %mul3A_22 = arith.muli %add3A_20, %mul3A_21 : i32
      %add3A_23 = arith.addi %add3A, %mul3A_22 : i32
      %run_scoped3A = arith.constant 0 : i32
      "tpu.region"() ({
        %run_scoped3A_25 = tpu.sem_alloc : memref<!tpu.dma_semaphore, #tpu.memory_space<semaphore_mem>>
        %dma_start3A = arith.constant 0 : i32
        %dma_start3A_26 = tpu.memref_slice %arg6[%run_scoped3A, %dma_start3A] : memref<1x128xi32, #tpu.memory_space<vmem>> -> memref<1x128xi32, #tpu.memory_space<vmem>>
        %dma_start3A_27 = tpu.memref_squeeze %dma_start3A_26 : memref<1x128xi32, #tpu.memory_space<vmem>> -> memref<128xi32, #tpu.memory_space<vmem>>
        %dma_start3A_28 = tpu.memref_slice %arg2[%add3A_23] : memref<1601536xi32, #tpu.memory_space<hbm>> -> memref<128xi32, #tpu.memory_space<hbm>>
        %dma_start3A_29 = arith.constant 0 : i32
        %dma_start3A_30 = tpu.memref_slice %arg6[%run_scoped3A, %dma_start3A_29] : memref<1x128xi32, #tpu.memory_space<vmem>> -> memref<1x128xi32, #tpu.memory_space<vmem>>
        %dma_start3A_31 = tpu.memref_squeeze %dma_start3A_30 : memref<1x128xi32, #tpu.memory_space<vmem>> -> memref<128xi32, #tpu.memory_space<vmem>>
        %dma_start3A_32 = tpu.memref_slice %arg2[%add3A_23] : memref<1601536xi32, #tpu.memory_space<hbm>> -> memref<128xi32, #tpu.memory_space<hbm>>
        tpu.enqueue_dma source(%dma_start3A_32 : memref<128xi32, #tpu.memory_space<hbm>>) target(%dma_start3A_31 : memref<128xi32, #tpu.memory_space<vmem>>) target_semaphore(%run_scoped3A_25 : memref<!tpu.dma_semaphore, #tpu.memory_space<semaphore_mem>>)
        %dma_wait3A = arith.constant 0 : i32
        %dma_wait3A_33 = tpu.memref_slice %arg6[%run_scoped3A, %dma_wait3A] : memref<1x128xi32, #tpu.memory_space<vmem>> -> memref<1x128xi32, #tpu.memory_space<vmem>>
        %dma_wait3A_34 = tpu.memref_squeeze %dma_wait3A_33 : memref<1x128xi32, #tpu.memory_space<vmem>> -> memref<128xi32, #tpu.memory_space<vmem>>
        %dma_wait3A_35 = tpu.memref_slice %arg2[%add3A_23] : memref<1601536xi32, #tpu.memory_space<hbm>> -> memref<128xi32, #tpu.memory_space<hbm>>
        %dma_wait3A_36 = arith.constant 0 : i32
        %dma_wait3A_37 = tpu.memref_slice %arg6[%run_scoped3A, %dma_wait3A_36] : memref<1x128xi32, #tpu.memory_space<vmem>> -> memref<1x128xi32, #tpu.memory_space<vmem>>
        %dma_wait3A_38 = tpu.memref_squeeze %dma_wait3A_37 : memref<1x128xi32, #tpu.memory_space<vmem>> -> memref<128xi32, #tpu.memory_space<vmem>>
        %dma_wait3A_39 = tpu.memref_slice %arg2[%add3A_23] : memref<1601536xi32, #tpu.memory_space<hbm>> -> memref<128xi32, #tpu.memory_space<hbm>>
        tpu.wait_dma2 semaphore(%run_scoped3A_25 : memref<!tpu.dma_semaphore, #tpu.memory_space<semaphore_mem>>) src(%dma_wait3A_39 : memref<128xi32, #tpu.memory_space<hbm>>) dst(%dma_wait3A_38 : memref<128xi32, #tpu.memory_space<vmem>>)
        tpu.yield
      }) : () -> ()
      %run_scoped3A_24 = arith.constant 0 : i32
      "tpu.region"() ({
        %run_scoped3A_25 = tpu.sem_alloc : memref<!tpu.dma_semaphore, #tpu.memory_space<semaphore_mem>>
        %dma_start3A = arith.constant 0 : i32
        %dma_start3A_26 = tpu.memref_slice %arg6[%run_scoped3A_24, %dma_start3A] : memref<1x128xi32, #tpu.memory_space<vmem>> -> memref<1x128xi32, #tpu.memory_space<vmem>>
        %dma_start3A_27 = tpu.memref_squeeze %dma_start3A_26 : memref<1x128xi32, #tpu.memory_space<vmem>> -> memref<128xi32, #tpu.memory_space<vmem>>
        %dma_start3A_28 = arith.constant 0 : i32
        %dma_start3A_29 = arith.constant 0 : i32
        %dma_start3A_30 = tpu.memref_slice %arg8[%dma_start3A_28, %dma_start3A_29] : memref<50048x16xf32, #tpu.memory_space<vmem_shared>> -> memref<50048x16xf32, #tpu.memory_space<vmem_shared>>
        tpu.enqueue_indirect_dma source(%arg7 : memref<128x16xf32, #tpu.memory_space<vmem>>) target(%dma_start3A_30 : memref<50048x16xf32, #tpu.memory_space<vmem_shared>>) offsets(%dma_start3A_27 : memref<128xi32, #tpu.memory_space<vmem>>) semaphore(%run_scoped3A_25 : memref<!tpu.dma_semaphore, #tpu.memory_space<semaphore_mem>>) {add = true}
        %dma_wait3A = arith.constant 0 : i32
        %dma_wait3A_31 = tpu.memref_slice %arg6[%run_scoped3A_24, %dma_wait3A] : memref<1x128xi32, #tpu.memory_space<vmem>> -> memref<1x128xi32, #tpu.memory_space<vmem>>
        %dma_wait3A_32 = tpu.memref_squeeze %dma_wait3A_31 : memref<1x128xi32, #tpu.memory_space<vmem>> -> memref<128xi32, #tpu.memory_space<vmem>>
        %dma_wait3A_33 = arith.constant 0 : i32
        %dma_wait3A_34 = arith.constant 0 : i32
        %dma_wait3A_35 = tpu.memref_slice %arg8[%dma_wait3A_33, %dma_wait3A_34] : memref<50048x16xf32, #tpu.memory_space<vmem_shared>> -> memref<50048x16xf32, #tpu.memory_space<vmem_shared>>
        tpu.wait_indirect_dma semaphore(%run_scoped3A_25 : memref<!tpu.dma_semaphore, #tpu.memory_space<semaphore_mem>>) src(%arg7 : memref<128x16xf32, #tpu.memory_space<vmem>>) dst(%dma_wait3A_35 : memref<50048x16xf32, #tpu.memory_space<vmem_shared>>)
        tpu.yield
      }) : () -> ()
    }
    %scan3A_8 = arith.constant 391 : i32
    %barrier3A_9 = arith.constant 0 : index
    tpu.barrier barrier_id(%barrier3A_9)
    %lt3A = arith.constant 15 : i32
    %lt3A_10 = arith.cmpi slt, %arg1, %lt3A : i32
    %convert_element_type3A = arith.extui %lt3A_10 : i1 to i32
    %cond3A = arith.constant 0 : i32
    %cond3A_11 = arith.cmpi ne, %convert_element_type3A, %cond3A : i32
    scf.if %cond3A_11 {
      %mul3A_16 = arith.constant 3128 : i32
      %mul3A_17 = arith.muli %arg1, %mul3A_16 : i32
      %mul3A_18 = arith.constant 50000 : i32
      %mul3A_19 = arith.muli %arg0, %mul3A_18 : i32
      %mul3A_20 = arith.constant 3128 : i32
      %mul3A_21 = arith.muli %arg1, %mul3A_20 : i32
      %add3A_22 = arith.addi %mul3A_19, %mul3A_21 : i32
      "tpu.region"() ({
        %run_scoped3A = tpu.sem_alloc : memref<!tpu.dma_semaphore, #tpu.memory_space<semaphore_mem>>
        %dma_start3A = arith.constant 0 : i32
        %dma_start3A_23 = tpu.memref_slice %arg5[%add3A_22, %dma_start3A] : memref<100000x16xf32, #tpu.memory_space<hbm>> -> memref<3128x16xf32, #tpu.memory_space<hbm>>
        %dma_start3A_24 = arith.constant 0 : i32
        %dma_start3A_25 = tpu.memref_slice %arg8[%mul3A_17, %dma_start3A_24] : memref<50048x16xf32, #tpu.memory_space<vmem_shared>> -> memref<3128x16xf32, #tpu.memory_space<vmem_shared>>
        tpu.enqueue_dma source(%dma_start3A_25 : memref<3128x16xf32, #tpu.memory_space<vmem_shared>>) target(%dma_start3A_23 : memref<3128x16xf32, #tpu.memory_space<hbm>>) target_semaphore(%run_scoped3A : memref<!tpu.dma_semaphore, #tpu.memory_space<semaphore_mem>>)
        %dma_wait3A = arith.constant 0 : i32
        %dma_wait3A_26 = tpu.memref_slice %arg5[%add3A_22, %dma_wait3A] : memref<100000x16xf32, #tpu.memory_space<hbm>> -> memref<3128x16xf32, #tpu.memory_space<hbm>>
        %dma_wait3A_27 = arith.constant 0 : i32
        %dma_wait3A_28 = tpu.memref_slice %arg8[%mul3A_17, %dma_wait3A_27] : memref<50048x16xf32, #tpu.memory_space<vmem_shared>> -> memref<3128x16xf32, #tpu.memory_space<vmem_shared>>
        tpu.wait_dma2 semaphore(%run_scoped3A : memref<!tpu.dma_semaphore, #tpu.memory_space<semaphore_mem>>) src(%dma_wait3A_28 : memref<3128x16xf32, #tpu.memory_space<vmem_shared>>) dst(%dma_wait3A_26 : memref<3128x16xf32, #tpu.memory_space<hbm>>)
        tpu.yield
      }) : () -> ()
    } else {
    }
    %eq3A = arith.constant 15 : i32
    %eq3A_12 = arith.cmpi eq, %arg1, %eq3A : i32
    %convert_element_type3A_13 = arith.extui %eq3A_12 : i1 to i32
    %cond3A_14 = arith.constant 0 : i32
    %cond3A_15 = arith.cmpi ne, %convert_element_type3A_13, %cond3A_14 : i32
    scf.if %cond3A_15 {
      %mul3A_16 = arith.constant 50000 : i32
      %mul3A_17 = arith.muli %arg0, %mul3A_16 : i32
      %add3A_18 = arith.constant 46920 : i32
      %add3A_19 = arith.addi %mul3A_17, %add3A_18 : i32
      "tpu.region"() ({
        %run_scoped3A = tpu.sem_alloc : memref<!tpu.dma_semaphore, #tpu.memory_space<semaphore_mem>>
        %dma_start3A = arith.constant 0 : i32
        %dma_start3A_20 = tpu.memref_slice %arg5[%add3A_19, %dma_start3A] : memref<100000x16xf32, #tpu.memory_space<hbm>> -> memref<3080x16xf32, #tpu.memory_space<hbm>>
        %dma_start3A_21 = arith.constant 46920 : i32
        %dma_start3A_22 = arith.constant 0 : i32
        %dma_start3A_23 = tpu.memref_slice %arg8[%dma_start3A_21, %dma_start3A_22] : memref<50048x16xf32, #tpu.memory_space<vmem_shared>> -> memref<3080x16xf32, #tpu.memory_space<vmem_shared>>
        tpu.enqueue_dma source(%dma_start3A_23 : memref<3080x16xf32, #tpu.memory_space<vmem_shared>>) target(%dma_start3A_20 : memref<3080x16xf32, #tpu.memory_space<hbm>>) target_semaphore(%run_scoped3A : memref<!tpu.dma_semaphore, #tpu.memory_space<semaphore_mem>>)
        %dma_wait3A = arith.constant 0 : i32
        %dma_wait3A_24 = tpu.memref_slice %arg5[%add3A_19, %dma_wait3A] : memref<100000x16xf32, #tpu.memory_space<hbm>> -> memref<3080x16xf32, #tpu.memory_space<hbm>>
        %dma_wait3A_25 = arith.constant 46920 : i32
        %dma_wait3A_26 = arith.constant 0 : i32
        %dma_wait3A_27 = tpu.memref_slice %arg8[%dma_wait3A_25, %dma_wait3A_26] : memref<50048x16xf32, #tpu.memory_space<vmem_shared>> -> memref<3080x16xf32, #tpu.memory_space<vmem_shared>>
        tpu.wait_dma2 semaphore(%run_scoped3A : memref<!tpu.dma_semaphore, #tpu.memory_space<semaphore_mem>>) src(%dma_wait3A_27 : memref<3080x16xf32, #tpu.memory_space<vmem_shared>>) dst(%dma_wait3A_24 : memref<3080x16xf32, #tpu.memory_space<hbm>>)
        tpu.yield
      }) : () -> ()
    } else {
    }
    return
  }
}

#map = affine_map<(d0, d1) -> (0, 0)>
#map1 = affine_map<(d0, d1) -> (0)>
module attributes {stable_mosaic.version = 14 : i64} {
  func.func @prop_kernel(%arg0: i32, %arg1: i32, %arg2: memref<100000x32xf32, #tpu.memory_space<hbm>>, %arg3: memref<1601536xi32, #tpu.memory_space<hbm>>, %arg4: memref<1601536xi32, #tpu.memory_space<hbm>>, %arg5: memref<3128x32xf32, #tpu.memory_space<hbm>>, %arg6: memref<100000x32xf32, #tpu.memory_space<hbm>>, %arg7: memref<1x128xi32, #tpu.memory_space<vmem>>, %arg8: memref<1x128xi32, #tpu.memory_space<vmem>>, %arg9: memref<128x32xf32, #tpu.memory_space<vmem>>, %arg10: memref<50048x32xf32, #tpu.memory_space<vmem_shared>>, %arg11: memref<!tpu.dma_semaphore, #tpu.memory_space<semaphore_mem>>) attributes {dimension_semantics = [#tpu.dimension_semantics<core_parallel>, #tpu.dimension_semantics<subcore_parallel>], iteration_bounds = array<i64: 2, 16>, scalar_prefetch = 0 : i64, scratch_operands = 5 : i64, tpu.core_type = #tpu.core_type<sc_vector_subcore>, window_params = [{transform_indices = #map}, {transform_indices = #map1}, {transform_indices = #map1}, {transform_indices = #map}, {transform_indices = #map}]} {
    %mul3A = arith.constant 3128 : i32
    %mul3A_0 = arith.muli %arg1, %mul3A : i32
    "tpu.region"() ({
      %run_scoped3A = tpu.sem_alloc : memref<!tpu.dma_semaphore, #tpu.memory_space<semaphore_mem>>
      %dma_start3A = arith.constant 0 : i32
      %dma_start3A_16 = tpu.memref_slice %arg10[%mul3A_0, %dma_start3A] : memref<50048x32xf32, #tpu.memory_space<vmem_shared>> -> memref<3128x32xf32, #tpu.memory_space<vmem_shared>>
      tpu.enqueue_dma source(%arg5 : memref<3128x32xf32, #tpu.memory_space<hbm>>) target(%dma_start3A_16 : memref<3128x32xf32, #tpu.memory_space<vmem_shared>>) target_semaphore(%run_scoped3A : memref<!tpu.dma_semaphore, #tpu.memory_space<semaphore_mem>>)
      %dma_wait3A = arith.constant 0 : i32
      %dma_wait3A_17 = tpu.memref_slice %arg10[%mul3A_0, %dma_wait3A] : memref<50048x32xf32, #tpu.memory_space<vmem_shared>> -> memref<3128x32xf32, #tpu.memory_space<vmem_shared>>
      tpu.wait_dma2 semaphore(%run_scoped3A : memref<!tpu.dma_semaphore, #tpu.memory_space<semaphore_mem>>) src(%arg5 : memref<3128x32xf32, #tpu.memory_space<hbm>>) dst(%dma_wait3A_17 : memref<3128x32xf32, #tpu.memory_space<vmem_shared>>)
      tpu.yield
    }) : () -> ()
    %barrier3A = arith.constant 0 : index
    tpu.barrier barrier_id(%barrier3A)
    %mul3A_1 = arith.constant 800768 : i32
    %mul3A_2 = arith.muli %arg0, %mul3A_1 : i32
    %mul3A_3 = arith.constant 50048 : i32
    %mul3A_4 = arith.muli %arg1, %mul3A_3 : i32
    %add3A = arith.addi %mul3A_2, %mul3A_4 : i32
    %scan3A = arith.constant 0 : i32
    %scan3A_5 = arith.constant 391 : i32
    %scan3A_6 = arith.addi %scan3A, %scan3A_5 : i32
    %scan3A_7 = arith.constant 1 : i32
    scf.for %scan3A_16 = %scan3A to %scan3A_6 step %scan3A_7  : i32 {
      %mul3A_17 = arith.constant 1 : i32
      %mul3A_18 = arith.muli %scan3A_16, %mul3A_17 : i32
      %add3A_19 = arith.constant 0 : i32
      %add3A_20 = arith.addi %add3A_19, %mul3A_18 : i32
      %mul3A_21 = arith.constant 128 : i32
      %mul3A_22 = arith.muli %add3A_20, %mul3A_21 : i32
      %add3A_23 = arith.addi %add3A, %mul3A_22 : i32
      %run_scoped3A = arith.constant 0 : i32
      "tpu.region"() ({
        %run_scoped3A_38 = tpu.sem_alloc : memref<!tpu.dma_semaphore, #tpu.memory_space<semaphore_mem>>
        %dma_start3A_39 = arith.constant 0 : i32
        %dma_start3A_40 = tpu.memref_slice %arg7[%run_scoped3A, %dma_start3A_39] : memref<1x128xi32, #tpu.memory_space<vmem>> -> memref<1x128xi32, #tpu.memory_space<vmem>>
        %dma_start3A_41 = tpu.memref_squeeze %dma_start3A_40 : memref<1x128xi32, #tpu.memory_space<vmem>> -> memref<128xi32, #tpu.memory_space<vmem>>
        %dma_start3A_42 = tpu.memref_slice %arg3[%add3A_23] : memref<1601536xi32, #tpu.memory_space<hbm>> -> memref<128xi32, #tpu.memory_space<hbm>>
        %dma_start3A_43 = arith.constant 0 : i32
        %dma_start3A_44 = tpu.memref_slice %arg7[%run_scoped3A, %dma_start3A_43] : memref<1x128xi32, #tpu.memory_space<vmem>> -> memref<1x128xi32, #tpu.memory_space<vmem>>
        %dma_start3A_45 = tpu.memref_squeeze %dma_start3A_44 : memref<1x128xi32, #tpu.memory_space<vmem>> -> memref<128xi32, #tpu.memory_space<vmem>>
        %dma_start3A_46 = tpu.memref_slice %arg3[%add3A_23] : memref<1601536xi32, #tpu.memory_space<hbm>> -> memref<128xi32, #tpu.memory_space<hbm>>
        tpu.enqueue_dma source(%dma_start3A_46 : memref<128xi32, #tpu.memory_space<hbm>>) target(%dma_start3A_45 : memref<128xi32, #tpu.memory_space<vmem>>) target_semaphore(%run_scoped3A_38 : memref<!tpu.dma_semaphore, #tpu.memory_space<semaphore_mem>>)
        %dma_wait3A_47 = arith.constant 0 : i32
        %dma_wait3A_48 = tpu.memref_slice %arg7[%run_scoped3A, %dma_wait3A_47] : memref<1x128xi32, #tpu.memory_space<vmem>> -> memref<1x128xi32, #tpu.memory_space<vmem>>
        %dma_wait3A_49 = tpu.memref_squeeze %dma_wait3A_48 : memref<1x128xi32, #tpu.memory_space<vmem>> -> memref<128xi32, #tpu.memory_space<vmem>>
        %dma_wait3A_50 = tpu.memref_slice %arg3[%add3A_23] : memref<1601536xi32, #tpu.memory_space<hbm>> -> memref<128xi32, #tpu.memory_space<hbm>>
        %dma_wait3A_51 = arith.constant 0 : i32
        %dma_wait3A_52 = tpu.memref_slice %arg7[%run_scoped3A, %dma_wait3A_51] : memref<1x128xi32, #tpu.memory_space<vmem>> -> memref<1x128xi32, #tpu.memory_space<vmem>>
        %dma_wait3A_53 = tpu.memref_squeeze %dma_wait3A_52 : memref<1x128xi32, #tpu.memory_space<vmem>> -> memref<128xi32, #tpu.memory_space<vmem>>
        %dma_wait3A_54 = tpu.memref_slice %arg3[%add3A_23] : memref<1601536xi32, #tpu.memory_space<hbm>> -> memref<128xi32, #tpu.memory_space<hbm>>
        tpu.wait_dma2 semaphore(%run_scoped3A_38 : memref<!tpu.dma_semaphore, #tpu.memory_space<semaphore_mem>>) src(%dma_wait3A_54 : memref<128xi32, #tpu.memory_space<hbm>>) dst(%dma_wait3A_53 : memref<128xi32, #tpu.memory_space<vmem>>)
        tpu.yield
      }) : () -> ()
      %run_scoped3A_24 = arith.constant 0 : i32
      "tpu.region"() ({
        %run_scoped3A_38 = tpu.sem_alloc : memref<!tpu.dma_semaphore, #tpu.memory_space<semaphore_mem>>
        %dma_start3A_39 = arith.constant 0 : i32
        %dma_start3A_40 = tpu.memref_slice %arg8[%run_scoped3A_24, %dma_start3A_39] : memref<1x128xi32, #tpu.memory_space<vmem>> -> memref<1x128xi32, #tpu.memory_space<vmem>>
        %dma_start3A_41 = tpu.memref_squeeze %dma_start3A_40 : memref<1x128xi32, #tpu.memory_space<vmem>> -> memref<128xi32, #tpu.memory_space<vmem>>
        %dma_start3A_42 = tpu.memref_slice %arg4[%add3A_23] : memref<1601536xi32, #tpu.memory_space<hbm>> -> memref<128xi32, #tpu.memory_space<hbm>>
        %dma_start3A_43 = arith.constant 0 : i32
        %dma_start3A_44 = tpu.memref_slice %arg8[%run_scoped3A_24, %dma_start3A_43] : memref<1x128xi32, #tpu.memory_space<vmem>> -> memref<1x128xi32, #tpu.memory_space<vmem>>
        %dma_start3A_45 = tpu.memref_squeeze %dma_start3A_44 : memref<1x128xi32, #tpu.memory_space<vmem>> -> memref<128xi32, #tpu.memory_space<vmem>>
        %dma_start3A_46 = tpu.memref_slice %arg4[%add3A_23] : memref<1601536xi32, #tpu.memory_space<hbm>> -> memref<128xi32, #tpu.memory_space<hbm>>
        tpu.enqueue_dma source(%dma_start3A_46 : memref<128xi32, #tpu.memory_space<hbm>>) target(%dma_start3A_45 : memref<128xi32, #tpu.memory_space<vmem>>) target_semaphore(%run_scoped3A_38 : memref<!tpu.dma_semaphore, #tpu.memory_space<semaphore_mem>>)
        %dma_wait3A_47 = arith.constant 0 : i32
        %dma_wait3A_48 = tpu.memref_slice %arg8[%run_scoped3A_24, %dma_wait3A_47] : memref<1x128xi32, #tpu.memory_space<vmem>> -> memref<1x128xi32, #tpu.memory_space<vmem>>
        %dma_wait3A_49 = tpu.memref_squeeze %dma_wait3A_48 : memref<1x128xi32, #tpu.memory_space<vmem>> -> memref<128xi32, #tpu.memory_space<vmem>>
        %dma_wait3A_50 = tpu.memref_slice %arg4[%add3A_23] : memref<1601536xi32, #tpu.memory_space<hbm>> -> memref<128xi32, #tpu.memory_space<hbm>>
        %dma_wait3A_51 = arith.constant 0 : i32
        %dma_wait3A_52 = tpu.memref_slice %arg8[%run_scoped3A_24, %dma_wait3A_51] : memref<1x128xi32, #tpu.memory_space<vmem>> -> memref<1x128xi32, #tpu.memory_space<vmem>>
        %dma_wait3A_53 = tpu.memref_squeeze %dma_wait3A_52 : memref<1x128xi32, #tpu.memory_space<vmem>> -> memref<128xi32, #tpu.memory_space<vmem>>
        %dma_wait3A_54 = tpu.memref_slice %arg4[%add3A_23] : memref<1601536xi32, #tpu.memory_space<hbm>> -> memref<128xi32, #tpu.memory_space<hbm>>
        tpu.wait_dma2 semaphore(%run_scoped3A_38 : memref<!tpu.dma_semaphore, #tpu.memory_space<semaphore_mem>>) src(%dma_wait3A_54 : memref<128xi32, #tpu.memory_space<hbm>>) dst(%dma_wait3A_53 : memref<128xi32, #tpu.memory_space<vmem>>)
        tpu.yield
      }) : () -> ()
      %dma_start3A = arith.constant 0 : i32
      %dma_start3A_25 = arith.constant 0 : i32
      %dma_start3A_26 = tpu.memref_slice %arg7[%dma_start3A, %dma_start3A_25] : memref<1x128xi32, #tpu.memory_space<vmem>> -> memref<1x128xi32, #tpu.memory_space<vmem>>
      %dma_start3A_27 = tpu.memref_squeeze %dma_start3A_26 : memref<1x128xi32, #tpu.memory_space<vmem>> -> memref<128xi32, #tpu.memory_space<vmem>>
      %dma_start3A_28 = arith.constant 0 : i32
      %dma_start3A_29 = arith.constant 0 : i32
      %dma_start3A_30 = tpu.memref_slice %arg2[%dma_start3A_28, %dma_start3A_29] : memref<100000x32xf32, #tpu.memory_space<hbm>> -> memref<100000x32xf32, #tpu.memory_space<hbm>>
      tpu.enqueue_indirect_dma source(%dma_start3A_30 : memref<100000x32xf32, #tpu.memory_space<hbm>>) target(%arg9 : memref<128x32xf32, #tpu.memory_space<vmem>>) offsets(%dma_start3A_27 : memref<128xi32, #tpu.memory_space<vmem>>) semaphore(%arg11 : memref<!tpu.dma_semaphore, #tpu.memory_space<semaphore_mem>>)
      %dma_wait3A = arith.constant 0 : i32
      %dma_wait3A_31 = arith.constant 0 : i32
      %dma_wait3A_32 = tpu.memref_slice %arg7[%dma_wait3A, %dma_wait3A_31] : memref<1x128xi32, #tpu.memory_space<vmem>> -> memref<1x128xi32, #tpu.memory_space<vmem>>
      %dma_wait3A_33 = tpu.memref_squeeze %dma_wait3A_32 : memref<1x128xi32, #tpu.memory_space<vmem>> -> memref<128xi32, #tpu.memory_space<vmem>>
      %dma_wait3A_34 = arith.constant 0 : i32
      %dma_wait3A_35 = arith.constant 0 : i32
      %dma_wait3A_36 = tpu.memref_slice %arg2[%dma_wait3A_34, %dma_wait3A_35] : memref<100000x32xf32, #tpu.memory_space<hbm>> -> memref<100000x32xf32, #tpu.memory_space<hbm>>
      tpu.wait_indirect_dma semaphore(%arg11 : memref<!tpu.dma_semaphore, #tpu.memory_space<semaphore_mem>>) src(%dma_wait3A_36 : memref<100000x32xf32, #tpu.memory_space<hbm>>) dst(%arg9 : memref<128x32xf32, #tpu.memory_space<vmem>>)
      %run_scoped3A_37 = arith.constant 0 : i32
      "tpu.region"() ({
        %run_scoped3A_38 = tpu.sem_alloc : memref<!tpu.dma_semaphore, #tpu.memory_space<semaphore_mem>>
        %dma_start3A_39 = arith.constant 0 : i32
        %dma_start3A_40 = tpu.memref_slice %arg8[%run_scoped3A_37, %dma_start3A_39] : memref<1x128xi32, #tpu.memory_space<vmem>> -> memref<1x128xi32, #tpu.memory_space<vmem>>
        %dma_start3A_41 = tpu.memref_squeeze %dma_start3A_40 : memref<1x128xi32, #tpu.memory_space<vmem>> -> memref<128xi32, #tpu.memory_space<vmem>>
        %dma_start3A_42 = arith.constant 0 : i32
        %dma_start3A_43 = arith.constant 0 : i32
        %dma_start3A_44 = tpu.memref_slice %arg10[%dma_start3A_42, %dma_start3A_43] : memref<50048x32xf32, #tpu.memory_space<vmem_shared>> -> memref<50048x32xf32, #tpu.memory_space<vmem_shared>>
        tpu.enqueue_indirect_dma source(%arg9 : memref<128x32xf32, #tpu.memory_space<vmem>>) target(%dma_start3A_44 : memref<50048x32xf32, #tpu.memory_space<vmem_shared>>) offsets(%dma_start3A_41 : memref<128xi32, #tpu.memory_space<vmem>>) semaphore(%run_scoped3A_38 : memref<!tpu.dma_semaphore, #tpu.memory_space<semaphore_mem>>) {add = true}
        %dma_wait3A_45 = arith.constant 0 : i32
        %dma_wait3A_46 = tpu.memref_slice %arg8[%run_scoped3A_37, %dma_wait3A_45] : memref<1x128xi32, #tpu.memory_space<vmem>> -> memref<1x128xi32, #tpu.memory_space<vmem>>
        %dma_wait3A_47 = tpu.memref_squeeze %dma_wait3A_46 : memref<1x128xi32, #tpu.memory_space<vmem>> -> memref<128xi32, #tpu.memory_space<vmem>>
        %dma_wait3A_48 = arith.constant 0 : i32
        %dma_wait3A_49 = arith.constant 0 : i32
        %dma_wait3A_50 = tpu.memref_slice %arg10[%dma_wait3A_48, %dma_wait3A_49] : memref<50048x32xf32, #tpu.memory_space<vmem_shared>> -> memref<50048x32xf32, #tpu.memory_space<vmem_shared>>
        tpu.wait_indirect_dma semaphore(%run_scoped3A_38 : memref<!tpu.dma_semaphore, #tpu.memory_space<semaphore_mem>>) src(%arg9 : memref<128x32xf32, #tpu.memory_space<vmem>>) dst(%dma_wait3A_50 : memref<50048x32xf32, #tpu.memory_space<vmem_shared>>)
        tpu.yield
      }) : () -> ()
    }
    %scan3A_8 = arith.constant 391 : i32
    %barrier3A_9 = arith.constant 0 : index
    tpu.barrier barrier_id(%barrier3A_9)
    %lt3A = arith.constant 15 : i32
    %lt3A_10 = arith.cmpi slt, %arg1, %lt3A : i32
    %convert_element_type3A = arith.extui %lt3A_10 : i1 to i32
    %cond3A = arith.constant 0 : i32
    %cond3A_11 = arith.cmpi ne, %convert_element_type3A, %cond3A : i32
    scf.if %cond3A_11 {
      %mul3A_16 = arith.constant 3128 : i32
      %mul3A_17 = arith.muli %arg1, %mul3A_16 : i32
      %mul3A_18 = arith.constant 50000 : i32
      %mul3A_19 = arith.muli %arg0, %mul3A_18 : i32
      %mul3A_20 = arith.constant 3128 : i32
      %mul3A_21 = arith.muli %arg1, %mul3A_20 : i32
      %add3A_22 = arith.addi %mul3A_19, %mul3A_21 : i32
      "tpu.region"() ({
        %run_scoped3A = tpu.sem_alloc : memref<!tpu.dma_semaphore, #tpu.memory_space<semaphore_mem>>
        %dma_start3A = arith.constant 0 : i32
        %dma_start3A_23 = tpu.memref_slice %arg6[%add3A_22, %dma_start3A] : memref<100000x32xf32, #tpu.memory_space<hbm>> -> memref<3128x32xf32, #tpu.memory_space<hbm>>
        %dma_start3A_24 = arith.constant 0 : i32
        %dma_start3A_25 = tpu.memref_slice %arg10[%mul3A_17, %dma_start3A_24] : memref<50048x32xf32, #tpu.memory_space<vmem_shared>> -> memref<3128x32xf32, #tpu.memory_space<vmem_shared>>
        tpu.enqueue_dma source(%dma_start3A_25 : memref<3128x32xf32, #tpu.memory_space<vmem_shared>>) target(%dma_start3A_23 : memref<3128x32xf32, #tpu.memory_space<hbm>>) target_semaphore(%run_scoped3A : memref<!tpu.dma_semaphore, #tpu.memory_space<semaphore_mem>>)
        %dma_wait3A = arith.constant 0 : i32
        %dma_wait3A_26 = tpu.memref_slice %arg6[%add3A_22, %dma_wait3A] : memref<100000x32xf32, #tpu.memory_space<hbm>> -> memref<3128x32xf32, #tpu.memory_space<hbm>>
        %dma_wait3A_27 = arith.constant 0 : i32
        %dma_wait3A_28 = tpu.memref_slice %arg10[%mul3A_17, %dma_wait3A_27] : memref<50048x32xf32, #tpu.memory_space<vmem_shared>> -> memref<3128x32xf32, #tpu.memory_space<vmem_shared>>
        tpu.wait_dma2 semaphore(%run_scoped3A : memref<!tpu.dma_semaphore, #tpu.memory_space<semaphore_mem>>) src(%dma_wait3A_28 : memref<3128x32xf32, #tpu.memory_space<vmem_shared>>) dst(%dma_wait3A_26 : memref<3128x32xf32, #tpu.memory_space<hbm>>)
        tpu.yield
      }) : () -> ()
    } else {
    }
    %eq3A = arith.constant 15 : i32
    %eq3A_12 = arith.cmpi eq, %arg1, %eq3A : i32
    %convert_element_type3A_13 = arith.extui %eq3A_12 : i1 to i32
    %cond3A_14 = arith.constant 0 : i32
    %cond3A_15 = arith.cmpi ne, %convert_element_type3A_13, %cond3A_14 : i32
    scf.if %cond3A_15 {
      %mul3A_16 = arith.constant 50000 : i32
      %mul3A_17 = arith.muli %arg0, %mul3A_16 : i32
      %add3A_18 = arith.constant 46920 : i32
      %add3A_19 = arith.addi %mul3A_17, %add3A_18 : i32
      "tpu.region"() ({
        %run_scoped3A = tpu.sem_alloc : memref<!tpu.dma_semaphore, #tpu.memory_space<semaphore_mem>>
        %dma_start3A = arith.constant 0 : i32
        %dma_start3A_20 = tpu.memref_slice %arg6[%add3A_19, %dma_start3A] : memref<100000x32xf32, #tpu.memory_space<hbm>> -> memref<3080x32xf32, #tpu.memory_space<hbm>>
        %dma_start3A_21 = arith.constant 46920 : i32
        %dma_start3A_22 = arith.constant 0 : i32
        %dma_start3A_23 = tpu.memref_slice %arg10[%dma_start3A_21, %dma_start3A_22] : memref<50048x32xf32, #tpu.memory_space<vmem_shared>> -> memref<3080x32xf32, #tpu.memory_space<vmem_shared>>
        tpu.enqueue_dma source(%dma_start3A_23 : memref<3080x32xf32, #tpu.memory_space<vmem_shared>>) target(%dma_start3A_20 : memref<3080x32xf32, #tpu.memory_space<hbm>>) target_semaphore(%run_scoped3A : memref<!tpu.dma_semaphore, #tpu.memory_space<semaphore_mem>>)
        %dma_wait3A = arith.constant 0 : i32
        %dma_wait3A_24 = tpu.memref_slice %arg6[%add3A_19, %dma_wait3A] : memref<100000x32xf32, #tpu.memory_space<hbm>> -> memref<3080x32xf32, #tpu.memory_space<hbm>>
        %dma_wait3A_25 = arith.constant 46920 : i32
        %dma_wait3A_26 = arith.constant 0 : i32
        %dma_wait3A_27 = tpu.memref_slice %arg10[%dma_wait3A_25, %dma_wait3A_26] : memref<50048x32xf32, #tpu.memory_space<vmem_shared>> -> memref<3080x32xf32, #tpu.memory_space<vmem_shared>>
        tpu.wait_dma2 semaphore(%run_scoped3A : memref<!tpu.dma_semaphore, #tpu.memory_space<semaphore_mem>>) src(%dma_wait3A_27 : memref<3080x32xf32, #tpu.memory_space<vmem_shared>>) dst(%dma_wait3A_24 : memref<3080x32xf32, #tpu.memory_space<hbm>>)
        tpu.yield
      }) : () -> ()
    } else {
    }
    return
  }
}

module attributes {stable_mosaic.version = 14 : i64} {
  func.func @body(%arg0: i32, %arg1: memref<2000x16xf32, #tpu.memory_space<vmem>>, %arg2: memref<2000x32xf32, #tpu.memory_space<vmem>>, %arg3: memref<2000x1xf32, #tpu.memory_space<vmem>>, %arg4: memref<2000x32xf32, #tpu.memory_space<vmem>>) attributes {dimension_semantics = [#tpu.dimension_semantics<arbitrary>], iteration_bounds = array<i64: 50>, scalar_prefetch = 0 : i64, scratch_operands = 0 : i64, tpu.core_type = #tpu.core_type<tc>, window_params = [{transform_indices = @transform_0, window_bounds = array<i64: 2000, 16>}, {transform_indices = @transform_1, window_bounds = array<i64: 2000, 32>}, {transform_indices = @transform_2, window_bounds = array<i64: 2000, 1>}, {transform_indices = @transform_3, window_bounds = array<i64: 2000, 32>}]} {
    %get3A = arith.constant 0 : index
    %get3A_0 = arith.constant 0 : index
    %get3A_1 = vector.load %arg1[%get3A, %get3A_0] : memref<2000x16xf32, #tpu.memory_space<vmem>>, vector<2000x1xf32>
    %eq3A = arith.constant 0.000000e+00 : f32
    %eq3A_2 = vector.broadcast %eq3A : f32 to vector<2000x1xf32>
    %eq3A_3 = arith.cmpf oeq, %get3A_1, %eq3A_2 : vector<2000x1xf32>
    %jit3A = arith.constant 9.99999996E-13 : f32
    %broadcast_in_dim3A = vector.broadcast %jit3A : f32 to vector<2000x1xf32>
    %select_n3A = arith.select %eq3A_3, %broadcast_in_dim3A, %get3A_1 : vector<2000x1xi1>, vector<2000x1xf32>
    %rsqrt3A = math.rsqrt %select_n3A : vector<2000x1xf32>
    %swap3A = arith.constant 0 : index
    %swap3A_4 = arith.constant 0 : index
    %swap3A_5 = vector.load %arg3[%swap3A, %swap3A_4] : memref<2000x1xf32, #tpu.memory_space<vmem>>, vector<2000x1xf32>
    tpu.vector_store %arg3[%swap3A, %swap3A_4], %rsqrt3A {strides = array<i32>} : memref<2000x1xf32, #tpu.memory_space<vmem>>, vector<2000x1xf32>,
    %get3A_6 = arith.constant 0 : index
    %get3A_7 = arith.constant 0 : index
    %get3A_8 = vector.load %arg2[%get3A_6, %get3A_7] : memref<2000x32xf32, #tpu.memory_space<vmem>>, vector<2000x32xf32>
    %mul3A = vector.broadcast %rsqrt3A : vector<2000x1xf32> to vector<2000x32xf32>
    %mul3A_9 = arith.mulf %get3A_8, %mul3A : vector<2000x32xf32>
    %swap3A_10 = arith.constant 0 : index
    %swap3A_11 = arith.constant 0 : index
    %swap3A_12 = vector.load %arg4[%swap3A_10, %swap3A_11] : memref<2000x32xf32, #tpu.memory_space<vmem>>, vector<2000x32xf32>
    tpu.vector_store %arg4[%swap3A_10, %swap3A_11], %mul3A_9 {strides = array<i32>} : memref<2000x32xf32, #tpu.memory_space<vmem>>, vector<2000x32xf32>,
    return
  }
  func.func @transform_0(%arg0: i32) -> (i32, i32) {
    %c0_i32 = arith.constant 0 : i32
    %c0_i32_0 = arith.constant 0 : i32
    return %arg0, %c0_i32 : i32, i32
  }
  func.func @transform_1(%arg0: i32) -> (i32, i32) {
    %c0_i32 = arith.constant 0 : i32
    %c0_i32_0 = arith.constant 0 : i32
    return %arg0, %c0_i32 : i32, i32
  }
  func.func @transform_2(%arg0: i32) -> (i32, i32) {
    %c0_i32 = arith.constant 0 : i32
    %c0_i32_0 = arith.constant 0 : i32
    return %arg0, %c0_i32 : i32, i32
  }
  func.func @transform_3(%arg0: i32) -> (i32, i32) {
    %c0_i32 = arith.constant 0 : i32
    %c0_i32_0 = arith.constant 0 : i32
    return %arg0, %c0_i32 : i32, i32
  }
}

module attributes {stable_mosaic.version = 14 : i64} {
  func.func @body(%arg0: i32, %arg1: memref<2000x1xf32, #tpu.memory_space<vmem>>, %arg2: memref<2000x32xf32, #tpu.memory_space<vmem>>, %arg3: memref<2000x32xf32, #tpu.memory_space<vmem>>, %arg4: memref<2000x32xf32, #tpu.memory_space<vmem>>, %arg5: memref<2000x32xf32, #tpu.memory_space<vmem>>) attributes {dimension_semantics = [#tpu.dimension_semantics<arbitrary>], iteration_bounds = array<i64: 50>, scalar_prefetch = 0 : i64, scratch_operands = 0 : i64, tpu.core_type = #tpu.core_type<tc>, window_params = [{transform_indices = @transform_0, window_bounds = array<i64: 2000, 1>}, {transform_indices = @transform_1, window_bounds = array<i64: 2000, 32>}, {transform_indices = @transform_2, window_bounds = array<i64: 2000, 32>}, {transform_indices = @transform_3, window_bounds = array<i64: 2000, 32>}, {transform_indices = @transform_4, window_bounds = array<i64: 2000, 32>}]} {
    %get3A = arith.constant 0 : index
    %get3A_0 = arith.constant 0 : index
    %get3A_1 = vector.load %arg1[%get3A, %get3A_0] : memref<2000x1xf32, #tpu.memory_space<vmem>>, vector<2000x1xf32>
    %get3A_2 = arith.constant 0 : index
    %get3A_3 = arith.constant 0 : index
    %get3A_4 = vector.load %arg2[%get3A_2, %get3A_3] : memref<2000x32xf32, #tpu.memory_space<vmem>>, vector<2000x32xf32>
    %mul3A = vector.broadcast %get3A_1 : vector<2000x1xf32> to vector<2000x32xf32>
    %mul3A_5 = arith.mulf %mul3A, %get3A_4 : vector<2000x32xf32>
    %mul3A_6 = vector.broadcast %get3A_1 : vector<2000x1xf32> to vector<2000x32xf32>
    %mul3A_7 = arith.mulf %mul3A_6, %mul3A_5 : vector<2000x32xf32>
    %swap3A = arith.constant 0 : index
    %swap3A_8 = arith.constant 0 : index
    %swap3A_9 = vector.load %arg4[%swap3A, %swap3A_8] : memref<2000x32xf32, #tpu.memory_space<vmem>>, vector<2000x32xf32>
    tpu.vector_store %arg4[%swap3A, %swap3A_8], %mul3A_7 {strides = array<i32>} : memref<2000x32xf32, #tpu.memory_space<vmem>>, vector<2000x32xf32>,
    %get3A_10 = arith.constant 0 : index
    %get3A_11 = arith.constant 0 : index
    %get3A_12 = vector.load %arg3[%get3A_10, %get3A_11] : memref<2000x32xf32, #tpu.memory_space<vmem>>, vector<2000x32xf32>
    %add3A = arith.addf %get3A_12, %mul3A_5 : vector<2000x32xf32>
    %swap3A_13 = arith.constant 0 : index
    %swap3A_14 = arith.constant 0 : index
    %swap3A_15 = vector.load %arg5[%swap3A_13, %swap3A_14] : memref<2000x32xf32, #tpu.memory_space<vmem>>, vector<2000x32xf32>
    tpu.vector_store %arg5[%swap3A_13, %swap3A_14], %add3A {strides = array<i32>} : memref<2000x32xf32, #tpu.memory_space<vmem>>, vector<2000x32xf32>,
    return
  }
  func.func @transform_0(%arg0: i32) -> (i32, i32) {
    %c0_i32 = arith.constant 0 : i32
    %c0_i32_0 = arith.constant 0 : i32
    return %arg0, %c0_i32 : i32, i32
  }
  func.func @transform_1(%arg0: i32) -> (i32, i32) {
    %c0_i32 = arith.constant 0 : i32
    %c0_i32_0 = arith.constant 0 : i32
    return %arg0, %c0_i32 : i32, i32
  }
  func.func @transform_2(%arg0: i32) -> (i32, i32) {
    %c0_i32 = arith.constant 0 : i32
    %c0_i32_0 = arith.constant 0 : i32
    return %arg0, %c0_i32 : i32, i32
  }
  func.func @transform_3(%arg0: i32) -> (i32, i32) {
    %c0_i32 = arith.constant 0 : i32
    %c0_i32_0 = arith.constant 0 : i32
    return %arg0, %c0_i32 : i32, i32
  }
  func.func @transform_4(%arg0: i32) -> (i32, i32) {
    %c0_i32 = arith.constant 0 : i32
    %c0_i32_0 = arith.constant 0 : i32
    return %arg0, %c0_i32 : i32, i32
  }
}

module attributes {stable_mosaic.version = 14 : i64} {
  func.func @body(%arg0: i32, %arg1: memref<2000x1xf32, #tpu.memory_space<vmem>>, %arg2: memref<2000x32xf32, #tpu.memory_space<vmem>>, %arg3: memref<2000x32xf32, #tpu.memory_space<vmem>>, %arg4: memref<2000x32xf32, #tpu.memory_space<vmem>>) attributes {dimension_semantics = [#tpu.dimension_semantics<arbitrary>], iteration_bounds = array<i64: 50>, scalar_prefetch = 0 : i64, scratch_operands = 0 : i64, tpu.core_type = #tpu.core_type<tc>, window_params = [{transform_indices = @transform_0, window_bounds = array<i64: 2000, 1>}, {transform_indices = @transform_1, window_bounds = array<i64: 2000, 32>}, {transform_indices = @transform_2, window_bounds = array<i64: 2000, 32>}, {transform_indices = @transform_3, window_bounds = array<i64: 2000, 32>}]} {
    %get3A = arith.constant 0 : index
    %get3A_0 = arith.constant 0 : index
    %get3A_1 = vector.load %arg3[%get3A, %get3A_0] : memref<2000x32xf32, #tpu.memory_space<vmem>>, vector<2000x32xf32>
    %get3A_2 = arith.constant 0 : index
    %get3A_3 = arith.constant 0 : index
    %get3A_4 = vector.load %arg1[%get3A_2, %get3A_3] : memref<2000x1xf32, #tpu.memory_space<vmem>>, vector<2000x1xf32>
    %get3A_5 = arith.constant 0 : index
    %get3A_6 = arith.constant 0 : index
    %get3A_7 = vector.load %arg2[%get3A_5, %get3A_6] : memref<2000x32xf32, #tpu.memory_space<vmem>>, vector<2000x32xf32>
    %mul3A = vector.broadcast %get3A_4 : vector<2000x1xf32> to vector<2000x32xf32>
    %mul3A_8 = arith.mulf %mul3A, %get3A_7 : vector<2000x32xf32>
    %add3A = arith.addf %get3A_1, %mul3A_8 : vector<2000x32xf32>
    %mul3A_9 = arith.constant 0.333333343 : f32
    %mul3A_10 = vector.broadcast %mul3A_9 : f32 to vector<2000x32xf32>
    %mul3A_11 = arith.mulf %add3A, %mul3A_10 : vector<2000x32xf32>
    %swap3A = arith.constant 0 : index
    %swap3A_12 = arith.constant 0 : index
    %swap3A_13 = vector.load %arg4[%swap3A, %swap3A_12] : memref<2000x32xf32, #tpu.memory_space<vmem>>, vector<2000x32xf32>
    tpu.vector_store %arg4[%swap3A, %swap3A_12], %mul3A_11 {strides = array<i32>} : memref<2000x32xf32, #tpu.memory_space<vmem>>, vector<2000x32xf32>,
    return
  }
  func.func @transform_0(%arg0: i32) -> (i32, i32) {
    %c0_i32 = arith.constant 0 : i32
    %c0_i32_0 = arith.constant 0 : i32
    return %arg0, %c0_i32 : i32, i32
  }
  func.func @transform_1(%arg0: i32) -> (i32, i32) {
    %c0_i32 = arith.constant 0 : i32
    %c0_i32_0 = arith.constant 0 : i32
    return %arg0, %c0_i32 : i32, i32
  }
  func.func @transform_2(%arg0: i32) -> (i32, i32) {
    %c0_i32 = arith.constant 0 : i32
    %c0_i32_0 = arith.constant 0 : i32
    return %arg0, %c0_i32 : i32, i32
  }
  func.func @transform_3(%arg0: i32) -> (i32, i32) {
    %c0_i32 = arith.constant 0 : i32
    %c0_i32_0 = arith.constant 0 : i32
    return %arg0, %c0_i32 : i32, i32
  }
}

</mosaic_0001>

<sc_bundles>
// kernel: kernel.11.cloned.1.call-start
scs
__scs_entry_jumppad:
0x0: {  	(pc) =	sbr.rel $0x88, $3  }
0x1: {  	(tag) =	ssettag $0x0;
	lr =	simm.s32 $0x1  }
0x2: {  	[smem:$0x3F9D] =	sst lr;
	_ =	strace $0xD0000000  }
0x3: {  	_ = 	snop  }
0x4: {  	_ = 	snop  }
0x5: {  	_ = 	snop  }
0x6: {  	_ = 	snop  }
0x7: {  	_ = 	snop  }
__scs_overlays_trampoline_lowered:
0x8: {  	[smem:$0x3FAC] =	sst s0  }
0x9: {  	[smem:$0x3FAD] =	sst s1  }
0xa: {  	[smem:$0x3FAE] =	sst s2  }
0xb: {  	[smem:$0x3FAF] =	sst s3  }
0xc: {  	[smem:$0x3FB0] =	sst s4  }
0xd: {  	[smem:$0x3FB1] =	sst s5  }
0xe: {  	[smem:$0x3FB2] =	sst s6  }
0xf: {  	[smem:$0x3FB3] =	sst s7  }
0x10: {  	[smem:$0x3FB4] =	sst s8  }
0x11: {  	[smem:$0x3FB5] =	sst s9;
	s0 =	simm.s32 @!p0 $0x0  }
0x12: {  	s1 =	sld [smem:$0x3F9B];
	s0 =	simm.s32 @p0 $0x1  }
0x13: {  	[smem:$0x3FB6] =	sst s0;
	s0 =	simm.s32 @!p1 $0x0  }
0x14: {  	s2 =	sld [smem:$0x3F9A];
	s0 =	simm.s32 @p1 $0x1  }
0x15: {  	[smem:$0x3FB7] =	sst s0;
	s0 =	simm.s32 @!p2 $0x0  }
0x16: {  	s3 =	sld [smem:$0x3FDB];
	s0 =	simm.s32 @p2 $0x1  }
0x17: {  	s4 =	simm.s32 $0x1BF5;
	[smem:$0x3FB9] =	sst s0  }
0x18: {  	s0 =	sld [smem:$0x3F9C];
	_ =	swait.ge [sflag:s4], $0x0  }
0x19: {  	s7 =	sld [smem:$0x3F9D]  }
0x1a: {  	s8 =	sadd.s32 $0xFFFFE003, lr  }
0x1b: {  	s9 =	sadd.s32 $0xFFFFFEF7, lr;
	s5 =	simm.s32 $0xFFFFFFFF;
	p2 =	slt.u32 s8, $0xFFFFF086  }
0x1c: {  	p1 =	slt.u32 s9, $0xF7A;
	s5 =	simm.s32 @!p2 $0x0  }
0x1d: {  	s5 =	simm.s32 @p1 $0x1;
	p0 =	seq.s32 s7, s2  }
0x1e: {  	s7 =	smul.u32 @!p0 $0xF7A, s2;
	p2 =	seq.s32 @!p0 s5, $0x0  }
0x1f: {  	s9 =	smul.u32 $0xF7A, s1;
	s8 =	simm.s32 @!p0 $0x1BF5;
	p2 =	por !p2, p0  }
0x20: {  	[sflag:s8] =	ssyncset.s32 @!p0 $0xFFFFF086;
	s6 =	sadd.s32 @!p0 s3, s7;
	s7 =	simm.s32 @!p0 $0x108  }
0x21: {  	s3 =	sadd.s32 s3, s9;
	s6 =	sadd.s32 @!p0 $0x88, s6;
	s7 =	simm.s32 @p2 $0x1082  }
0x22: {  	[simem:s7], [sflag:s8] =	dma.local @!p0 [hbm:s6], $0xF7A  }
0x23: {  	s9 =	sor.u32 $0xD0000000, s2;
	s6 =	simm.s32 $0x108;
	_ =	swait.ge @!p0 [sflag:s8], $0x0  }
0x24: {  	s3 =	sadd.s32 $0x88, s3;
	s6 =	simm.s32 @!p1 $0x1082;
	[sflag:s4] =	ssyncset.s32 $0xFFFFF086  }
0x25: {  	[simem:s6], [sflag:s4] =	dma.local [hbm:s3], $0xF7A  }
0x26: {  	[smem:$0x3F9D] =	sst s1;
	(tag) =	ssettag s2;
	_ =	strace s9  }
0x27: {  	s1 =	sld [smem:$0x3FAD]  }
0x28: {  	s2 =	sld [smem:$0x3FAE]  }
0x29: {  	s4 =	sld [smem:$0x3FB0]  }
0x2a: {  	p0 =	seq.s32 s5, $0x0;
	s5 =	sld [smem:$0x3FB1]  }
0x2b: {  	s6 =	sld [smem:$0x3FB2]  }
0x2c: {  	s7 =	sld [smem:$0x3FB3]  }
0x2d: {  	s3 =	simm.s32 $0x108;
	s8 =	sld [smem:$0x3FB4]  }
0x2e: {  	s3 =	simm.s32 @!p0 $0x1082;
	s9 =	sld [smem:$0x3FB5]  }
0x2f: {  	lr =	sadd.s32 s0, s3;
	s0 =	sld [smem:$0x3FAC]  }
0x30: {  	s3 =	sld [smem:$0x3FAF]  }
0x31: {  	[smem:$0x3FB8] =	sst s10  }
0x32: {  	s10 =	sld [smem:$0x3FB6];
	_ =	sdelay $0x3  }
0x33: {  	p0 =	seq.s32 s10, $0x1;
	s10 =	sld [smem:$0x3FB8];
	_ =	sdelay $0x3  }
0x34: {  	[smem:$0x3FB8] =	sst s10  }
0x35: {  	s10 =	sld [smem:$0x3FB7];
	_ =	sdelay $0x3  }
0x36: {  	p1 =	seq.s32 s10, $0x1;
	s10 =	sld [smem:$0x3FB8];
	_ =	sdelay $0x3  }
0x37: {  	[smem:$0x3FB8] =	sst s10  }
0x38: {  	s10 =	sld [smem:$0x3FB9]  }
0x39: {  	_ = 	snop;
	(pc) =	sbr.ind lr, $3  }
0x3a: {  	_ = 	snop  }
0x3b: {  	_ = 	snop  }
0x3c: {  	p2 =	seq.s32 s10, $0x1;
	s10 =	sld [smem:$0x3FB8]  }
0x3d: {  	_ =	shalt  }
0x3e: {  	_ =	shalt  }
0x3f: {  	_ =	shalt  }
0x40: {  	_ =	shalt  }
0x41: {  	_ =	shalt  }
0x42: {  	_ =	shalt  }
0x43: {  	_ =	shalt  }
0x44: {  	_ =	shalt  }
0x45: {  	_ =	shalt  }
0x46: {  	_ =	shalt  }
0x47: {  	_ =	shalt  }
0x48: {  	_ =	shalt  }
0x49: {  	_ =	shalt  }
0x4a: {  	_ =	shalt  }
0x4b: {  	_ =	shalt  }
0x4c: {  	_ =	shalt  }
0x4d: {  	_ =	shalt  }
0x4e: {  	_ =	shalt  }
0x4f: {  	_ =	shalt  }
0x50: {  	_ =	shalt  }
0x51: {  	_ =	shalt  }
0x52: {  	_ =	shalt  }
0x53: {  	_ =	shalt  }
0x54: {  	_ =	shalt  }
0x55: {  	_ =	shalt  }
0x56: {  	_ =	shalt  }
0x57: {  	_ =	shalt  }
0x58: {  	_ =	shalt  }
0x59: {  	_ =	shalt  }
0x5a: {  	_ =	shalt  }
0x5b: {  	_ =	shalt  }
0x5c: {  	_ =	shalt  }
0x5d: {  	_ =	shalt  }
0x5e: {  	_ =	shalt  }
0x5f: {  	_ =	shalt  }
0x60: {  	_ =	shalt  }
0x61: {  	_ =	shalt  }
0x62: {  	_ =	shalt  }
0x63: {  	_ =	shalt  }
0x64: {  	_ =	shalt  }
0x65: {  	_ =	shalt  }
0x66: {  	_ =	shalt  }
0x67: {  	_ =	shalt  }
0x68: {  	_ =	shalt  }
0x69: {  	_ =	shalt  }
0x6a: {  	_ =	shalt  }
0x6b: {  	_ =	shalt  }
0x6c: {  	_ =	shalt  }
0x6d: {  	_ =	shalt  }
0x6e: {  	_ =	shalt  }
0x6f: {  	_ =	shalt  }
0x70: {  	_ =	shalt  }
0x71: {  	_ =	shalt  }
0x72: {  	_ =	shalt  }
0x73: {  	_ =	shalt  }
0x74: {  	_ =	shalt  }
0x75: {  	_ =	shalt  }
0x76: {  	_ =	shalt  }
0x77: {  	_ =	shalt  }
0x78: {  	_ =	shalt  }
0x79: {  	_ =	shalt  }
0x7a: {  	_ =	shalt  }
0x7b: {  	_ =	shalt  }
0x7c: {  	_ =	shalt  }
0x7d: {  	_ =	shalt  }
0x7e: {  	_ =	shalt  }
0x7f: {  	_ =	shalt  }
0x80: {  	_ =	shalt  }
0x81: {  	_ =	shalt  }
0x82: {  	_ =	shalt  }
0x83: {  	_ =	shalt  }
0x84: {  	_ =	shalt  }
0x85: {  	_ =	shalt  }
0x86: {  	_ =	shalt  }
0x87: {  	_ =	shalt  }
.Lfunc_end0:
.L_simem_size_0:
called_computation.1_lowered:
.L_overlay_start_0:
0x88: {  	s2 =	sld [smem:$0x3FD9]  }
0x89: {  	s3 =	sld [smem:$0x3FFE];
	_ =	sdelay $0x1  }
0x8a: {  	s1 =	srdreg.scid  }
0x8b: {  	s0 =	sand.u32 $0x1, s1  }
0x8c: {  	s14 =	sshll.u32 s0, $0xA;
	s2 =	sadd.s32 s3, s2  }
0x8d: {  	s2 =	sadd.s32 s2, s14  }
0x8e: {  	[smem:$0x3FC4] =	sst s2  }
0x8f: {  	_ = 	snop  }
0x90: {  	s2 =	sld [smem:$0x3FD0];
	_ =	sdelay $0x2  }
0x91: {  	s15 =	simm.s32 $0xA;
	s4 =	simm.s32 $0x10  }
0x92: {  	[smem:s4], [sflag:s15] =	dma.local [hbm:s2], $0x1  }
0x93: {  	_ =	swait.eq [sflag:s15], $0x1  }
0x94: {  	[sflag:s15] =	ssyncset.done $0x0  }
0x95: {  	s16 =	sld [smem:$0x10];
	[sflag:s15] =	ssyncadd.s32 $0xFFFFFFFF  }
0x96: {  	s17 =	sld [smem:$0x11];
	(tm) =	ssettm $0x1  }
0x97: {  	s18 =	sld [smem:$0x3FFB];
	_ =	sdelay $0x3  }
0x98: {  	_ =	strace s18  }
0x99: {  	s4 =	sld [smem:$0x3FFC];
	_ =	sdelay $0x3  }
0x9a: {  	_ =	strace s4  }
0x9b: {  	s4 =	sld [smem:$0x3FFD];
	_ =	sdelay $0x3  }
0x9c: {  	_ =	strace s4  }
0x9d: {  	_ =	strace $0x8FFFFFFF  }
0x9e: {  	s19 =	sld [smem:$0x3FDB];
	_ =	sdelay $0x1  }
0x9f: {  	s5 =	simm.s32 $_scs_section_size  }
0xa0: {  	s6 =	simm.s32 $_size__tile_overlayer_lowered;
	s7 =	simm.s32 $_tile_overlayer_lowered  }
0xa1: {  	s22 =	simm.s32 $0x1BFF;
	s21 =	sshll.u32 s7, $0x1;
	s4 =	sadd.s32 s5, s19  }
0xa2: {  	s8 =	simm.s32 $0x0;
	s20 =	sshll.u32 s6, $0x1;
	s6 =	sadd.s32 s21, s4  }
0xa3: {  	[timem:s8], [sflag:s22] =	dma.local [hbm:s6], s20  }
0xa4: {  	_ =	swait.ge [sflag:s22], s20  }
0xa5: {  	s5 =	ssub.s32 $0x0, s20;
	[sflag:s22] =	ssyncset.done $0x0  }
0xa6: {  	[sflag:s22] =	ssyncadd.s32 s5;
	_ =	sdelay $0x1  }
0xa7: {  	s23 =	simm.s32 $0x1B8B  }
0xa8: {  	_ =	swait.ge [sflag:s23], $0x1  }
0xa9: {  	[sflag:s23] =	ssyncset.done $0x0  }
0xaa: {  	s25 =	simm.s32 $0x1B8E;
	s24 =	sld [smem:$0x3FFE];
	[sflag:s23] =	ssyncadd.s32 $0xFFFFFFFF  }
0xab: {  	s26 =	simm.s32 $execute0_lowered;
	[smem:$0x3FD2] =	sst s25  }
0xac: {  	s6 =	sshll.u32 s26, $0x1;
	_ =	strace $0x80000049;
	[dreg:$0x1] =	wrdreg $0xFFFFFFFF  }
0xad: {  	s28 =	simm.s32 $_size_execute0_lowered;
	s4 =	sadd.s32 s4, s6;
	[dreg:$0x0] =	wrdreg $0x0  }
0xae: {  	s6 =	sshll.u32 s28, $0x1;
	[dreg:$0x2] =	wrdreg s4  }
0xaf: {  	[dreg:$0x3] =	wrdreg s6  }
0xb0: {  	[dreg:$0x4] =	wrdreg $0xC0  }
0xb1: {  	_ =	task [dreg:s8], $0x5FFFF  }
0xb2: {  	[dreg:$0x1] =	wrdreg $0xFFFFFFFF  }
0xb3: {  	[dreg:$0x0] =	wrdreg $0x60  }
0xb4: {  	[dreg:$0x2] =	wrdreg s24  }
0xb5: {  	[dreg:$0x3] =	wrdreg s17  }
0xb6: {  	[dreg:$0x4] =	wrdreg s16  }
0xb7: {  	[dreg:$0x5] =	wrdreg $0x11000  }
0xb8: {  	[dreg:$0x6] =	wrdreg $0x9  }
0xb9: {  	_ =	task.clear_ibuf [dreg:s8], $0x7FFFF;
	_ =	strace $0x90000049  }
0xba: {  	s29 =	simm.s32 $0x9;
	_ =	strace $0x8000004B  }
0xbb: {  	_ =	swait.ge [sflag:s29], $0x1  }
0xbc: {  	[sflag:s29] =	ssyncadd.s32 $0xFFFFFFFF  }
0xbd: {  	_ =	strace $0x9000004B  }
0xbe: {  	_ =	sfence  }
0xbf: {  	s30 =	sld [smem:$0x0];
	_ =	sdelay $0x2  }
0xc0: {  	s31 =	sshll.u32 s1, $0xD;
	s1 =	sshrl.u32 s1, $0x2  }
0xc1: {  	s3 =	sand.u32 $0x4000, s31;
	s1 =	sadd.s32 s1, s30  }
0xc2: {  	s0 =	sor.u32 s3, s0;
	s1 =	sshll.u32 s1, $0x11  }
0xc3: {  	s0 =	sor.u32 s1, s0  }
0xc4: {  	s0 =	sadd.s32 $0x8F2B, s0  }
0xc5: {  	[sflag:s0] =	ssyncadd.remote.s32 $0x1  }
0xc6: {  	_ =	sfence.sel $0xFFFF  }
0xc7: {  	[dreg:$0x0] =	wrdreg $0xFFFFFFFF;
	(pc) =	sbr.abs _section_cstart, $3  }
0xc8: {  	[dreg:$0x1] =	wrdreg $0xFFFFFFFF  }
0xc9: {  	_ =	task.clear_ibuf [dreg:s8], $0x2FFFF;
	_ =	strace $0x9FFFFFFF  }
0xca: {  	(tm) =	ssettm $0x7FFFFFFF  }
0xcb: {  	_ =	shalt  }
tec
execute0_lowered:
.L_overlay_start_1:
0x0: {  	(tag) =	ssettag $0x1  }
0x1: {  	s6 =	rddreg [dreg:$0x0]  }
0x2: {  	s11 =	rddreg [dreg:$0x1]  }
0x3: {  	s10 =	rddreg [dreg:$0x2]  }
0x4: {  	s2 =	rddreg [dreg:$0x3]  }
0x5: {  	s0 =	rddreg [dreg:$0x4]  }
0x6: {  	s3 =	simm.s32 $0x0;
	s1 =	stileid.u32;
	s5 =	srdreg.scid  }
0x7: {  	s16 =	simm.s32 $0x1;
	s19 =	simm.s32 $0x0;
	s7 =	smul.u32 $0x30E0, s1  }
0x8: {  	[smem:$0x7FF] =	sst s3;
	s4 =	sadd.s32 $0x1BBC00, s6;
	s9 =	smul.u32 $0x61C00, s1  }
0x9: {  	s8 =	sand.u32 $0x1, s5;
	s5 =	sadd.s32 $0x2800, s6;
	s31 =	smul.u32 $0xC380, s1  }
0xa: {  	s14 =	sadd.s32 $0x21D800, s6;
	s30 =	sshll.u32 s1, $0x6;
	s13 =	smul.u32 $0xC3800, s8  }
0xb: {  	s17 =	sadd.s32 $0x16E900, s2;
	p0 =	seq.s32 s1, $0xF;
	s15 =	smul.u32 $0x30D40, s8  }
0xc: {  	_ =	strace $0x8000004A;
	s12 =	ssub.s32 $0x2, s8;
	s8 =	smul.u32 $0x186A00, s8  }
0xd: {  	s6 =	sor.u32 $0x1C02, s30;
	s28 =	sshrl.u32 s12, $0x1;
	s29 =	sshrl.u32 s9, $0x2  }
0xe: {  	s17 =	sshrl.u32 @p0 s17, $0x3;
	s12 =	ssub.s32 s12, s28;
	s18 =	sadd.s32 s29, s2  }
0xf: {  	s7 =	sadd.s32 s7, s15;
	s8 =	sshrl.u32 s8, $0x3;
	s9 =	sadd.s32 s31, s13  }
0x10: {  	s15 =	simm.s32 $0x100;
	s7 =	sadd.s32 s14, s7;
	s8 =	sadd.s32 s14, s8  }
0x11: {  	s13 =	sshrl.u32 s9, $0x3;
	s9 =	smax.u32 s12, $0x1;
	s12 =	sshrl.u32 s18, $0x3  }
0x12: {  	s14 =	simm.s32 $0x80;
	s18 =	sshrl.u32 @!p0 s18, $0x3;
	s8 =	sadd.s32 $0x2DD20, s8  }
0x13: {  	s10 =	sadd.s32 s13, s10;
	s11 =	sadd.s32 s13, s11;
	s13 =	simm.s32 $0x2  }
.LBB2_1:
0x14: {  	[spmem:s12], [sflag:s6] =	dma.local [hbm:s5], $0x30E0  }
0x15: {  	_ =	swait.ge [sflag:s13], $0x30E0  }
0x16: {  	[sflag:s13] =	ssyncset.done $0x0  }
0x17: {  	[sflag:s13] =	ssyncadd.s32 $0xFFFFCF20  }
0x18: {  	s20 =	sadd.s32 $0x0, s11;
	[bflag:$0x0] =	sbarrier.arrive $0xFFFF  }
0x19: {  	[tilespmem:s3], [sflag:$0x2] =	stream.linear.gather [hbm4b:s20+s3], $0x80, $0x38;
	[tilespmem:$0x19800] =	vst v63  }
0x1a: {  	_ =	swait.ge [sflag:s13], $0x80  }
0x1b: {  	[sflag:s13] =	ssyncset.done $0x0  }
0x1c: {  	s31 =	sadd.s32 $0x0, s10;
	[sflag:s13] =	ssyncadd.s32 $0xFFFFFF80  }
0x1d: {  	[tilespmem:s14], [sflag:$0x2] =	stream.linear.gather [hbm4b:s31+s3], $0x80, $0x38;
	[tilespmem:$0x19800] =	vst v63  }
0x1e: {  	_ =	swait.ge [sflag:s13], $0x80  }
0x1f: {  	[sflag:s13] =	ssyncset.done $0x0  }
0x20: {  	[sflag:s13] =	ssyncadd.s32 $0xFFFFFF80  }
0x21: {  	[tilespmem:s15], [sflag:$0x1] =	stream.indirect.gather [hbm4b:s4+s14], $0x20, s3, s14, $0xb8;
	[tilespmem:$0x19800] =	vst v63  }
0x22: {  	_ =	swait.ge [sflag:s16], $0x1000  }
0x23: {  	[sflag:s16] =	ssyncset.done $0x0  }
0x24: {  	[sflag:s16] =	ssyncadd.s32 $0xFFFFF000  }
0x25: {  	[spmem:s2] =	stream.indirect.scatter.add.f32 [tilespmem:s15], [sflag:$0x2], $0x20, s14, s14, $0xb8;
	[tilespmem:$0x19800] =	vst v63  }
0x26: {  	_ =	swait.ge [sflag:s13], $0x1000  }
0x27: {  	s21 =	simm.s32 $0x20;
	s20 =	simm.s32 $0x10;
	[sflag:s13] =	ssyncset.done $0x0  }
.LBB2_2:
0x28: {  	s22 =	sadd.s32 s20, s11  }
0x29: {  	[sflag:s13] =	ssyncadd.s32 $0xFFFFF000;
	s23 =	smov.u32 s21;
	s24 =	sadd.s32 $0x10, s21  }
0x2a: {  	[tilespmem:s3], [sflag:$0x2] =	stream.linear.gather [hbm4b:s22+s3], $0x80, $0x38;
	[tilespmem:$0x19800] =	vst v63  }
0x2b: {  	p1 =	sne.s32 s21, $0x1860;
	_ =	swait.ge [sflag:s13], $0x80  }
0x2c: {  	[sflag:s13] =	ssyncset.done $0x0  }
0x2d: {  	s21 =	sadd.s32 s20, s10;
	s20 =	smov.u32 s23;
	[sflag:s13] =	ssyncadd.s32 $0xFFFFFF80  }
0x2e: {  	[tilespmem:s14], [sflag:$0x2] =	stream.linear.gather [hbm4b:s21+s3], $0x80, $0x38;
	[tilespmem:$0x19800] =	vst v63  }
0x2f: {  	_ =	swait.ge [sflag:s13], $0x80  }
0x30: {  	[sflag:s13] =	ssyncset.done $0x0  }
0x31: {  	[sflag:s13] =	ssyncadd.s32 $0xFFFFFF80  }
0x32: {  	[tilespmem:s15], [sflag:$0x1] =	stream.indirect.gather [hbm4b:s4+s14], $0x20, s3, s14, $0xb8;
	[tilespmem:$0x19800] =	vst v63  }
0x33: {  	_ =	swait.ge [sflag:s16], $0x1000  }
.Ltmp0:
0x34: {  	[sflag:s16] =	ssyncset.done $0x0;
	(pc) =	sbr.rel @p1 .LBB2_2-.Ltmp0, $4  }
0x35: {  	[sflag:s16] =	ssyncadd.s32 $0xFFFFF000  }
0x36: {  	[spmem:s2] =	stream.indirect.scatter.add.f32 [tilespmem:s15], [sflag:$0x2], $0x20, s14, s14, $0xb8;
	[tilespmem:$0x19800] =	vst v63  }
0x37: {  	_ =	swait.ge [sflag:s13], $0x1000  }
0x38: {  	s21 =	smov.u32 s24;
	[sflag:s13] =	ssyncset.done $0x0  }
0x39: {  	s21 =	sadd.s32 s20, s11;
	[sflag:s13] =	ssyncadd.s32 $0xFFFFF000  }
0x3a: {  	[tilespmem:s3], [sflag:$0x2] =	stream.linear.gather [hbm4b:s21+s3], $0x80, $0x38;
	[tilespmem:$0x19800] =	vst v63  }
0x3b: {  	_ =	swait.ge [sflag:s13], $0x80  }
0x3c: {  	[sflag:s13] =	ssyncset.done $0x0  }
0x3d: {  	s31 =	sadd.s32 s20, s10;
	[sflag:s13] =	ssyncadd.s32 $0xFFFFFF80  }
0x3e: {  	[tilespmem:s14], [sflag:$0x2] =	stream.linear.gather [hbm4b:s31+s3], $0x80, $0x38;
	[tilespmem:$0x19800] =	vst v63  }
0x3f: {  	_ =	swait.ge [sflag:s13], $0x80  }
0x40: {  	[sflag:s13] =	ssyncset.done $0x0  }
0x41: {  	[sflag:s13] =	ssyncadd.s32 $0xFFFFFF80  }
0x42: {  	[tilespmem:s15], [sflag:$0x1] =	stream.indirect.gather [hbm4b:s4+s14], $0x20, s3, s14, $0xb8;
	[tilespmem:$0x19800] =	vst v63  }
0x43: {  	_ =	swait.ge [sflag:s16], $0x1000  }
0x44: {  	[sflag:s16] =	ssyncset.done $0x0  }
0x45: {  	[sflag:s16] =	ssyncadd.s32 $0xFFFFF000  }
0x46: {  	[spmem:s2] =	stream.indirect.scatter.add.f32 [tilespmem:s15], [sflag:$0x2], $0x20, s14, s14, $0xb8;
	[tilespmem:$0x19800] =	vst v63  }
0x47: {  	_ =	swait.ge [sflag:s13], $0x1000  }
0x48: {  	[sflag:s13] =	ssyncset.done $0x0  }
0x49: {  	[sflag:s13] =	ssyncadd.s32 $0xFFFFF000  }
0x4a: {  	s20 =	simm.s32 @p0 $0x2;
	[bflag:$0x0] =	sbarrier.arrive $0xFFFF  }
0x4b: {  	[hbm:s8], [sflag:s6] =	dma.local @p0 [spmem:s17], $0x3020  }
0x4c: {  	s19 =	sadd.s32 $0x1, s19;
	_ =	swait.ge @p0 [sflag:s20], $0x3020  }
0x4d: {  	p1 =	sne.s32 s19, s9;
	[sflag:s20] =	ssyncset.done @p0 $0x0  }
.Ltmp1:
0x4e: {  	[sflag:s20] =	ssyncadd.s32 @p0 $0xFFFFCFE0;
	s20 =	simm.s32 @!p0 $0x2;
	(pc) =	sbr.rel @p1 .LBB2_1-.Ltmp1, $4  }
0x4f: {  	[hbm:s7], [sflag:s6] =	dma.local @!p0 [spmem:s18], $0x30E0  }
0x50: {  	_ =	swait.ge @!p0 [sflag:s20], $0x30E0  }
0x51: {  	[sflag:s20] =	ssyncset.done @!p0 $0x0  }
0x52: {  	[sflag:s20] =	ssyncadd.s32 @!p0 $0xFFFFCF20  }
0x53: {  	_ =	sfence.sel $0x180000  }
0x54: {  	[bflag:$0x0] =	sbarrier.arrive $0xFFFF  }
0x55: {  	p0 =	sne.s32 s1, $0x0;
	_ =	strace $0x9000004A  }
0x56: {  	s0 =	sadd.s32 @!p0 $0x100000, s0;
	[bflag:$0x2] =	sbarrier.arrive $0xFFFF  }
0x57: {  	[sflag:s0] =	ssyncadd.tile.s32 @!p0 $0x1;
	_ =	shalt  }
.Lfunc_end2:
_tile_overlayer_lowered:
.L_overlay_start_2:
0x58: {  	(tag) =	ssettag $0x2  }
0x59: {  	s0 =	rddreg [dreg:$0x0];
	s2 =	stileid.u32  }
0x5a: {  	s1 =	rddreg [dreg:$0x1];
	p0 =	sne.s32 s2, $0x0  }
0x5b: {  	s3 =	rddreg [dreg:$0x2];
	[bflag:$0x3] =	sbarrier.arrive $0xFFFF;
	s2 =	simm.s32 @!p0 $0x1C02  }
0x5c: {  	[timem:s3], [sflag:s2] =	dma.local @!p0 [hbm:s0], s1  }
0x5d: {  	s0 =	simm.s32 @!p0 $0x2  }
0x5e: {  	_ =	swait.ge @!p0 [sflag:s0], s1  }
0x5f: {  	s1 =	ssub.s32 @!p0 $0x0, s1;
	[sflag:s0] =	ssyncset.done @!p0 $0x0  }
0x60: {  	[sflag:s0] =	ssyncadd.s32 @!p0 s1  }
0x61: {  	[bflag:$0x3] =	sbarrier.arrive $0xFFFF  }
0x62: {  	_ =	shalt  }

// kernel: kernel.14.cloned.1.call-start
scs
__scs_entry_jumppad:
0x0: {  	(pc) =	sbr.rel $0x88, $3  }
0x1: {  	(tag) =	ssettag $0x0;
	lr =	simm.s32 $0x1  }
0x2: {  	[smem:$0x3F9D] =	sst lr;
	_ =	strace $0xD0000000  }
0x3: {  	_ = 	snop  }
0x4: {  	_ = 	snop  }
0x5: {  	_ = 	snop  }
0x6: {  	_ = 	snop  }
0x7: {  	_ = 	snop  }
__scs_overlays_trampoline_lowered:
0x8: {  	[smem:$0x3FAC] =	sst s0  }
0x9: {  	[smem:$0x3FAD] =	sst s1  }
0xa: {  	[smem:$0x3FAE] =	sst s2  }
0xb: {  	[smem:$0x3FAF] =	sst s3  }
0xc: {  	[smem:$0x3FB0] =	sst s4  }
0xd: {  	[smem:$0x3FB1] =	sst s5  }
0xe: {  	[smem:$0x3FB2] =	sst s6  }
0xf: {  	[smem:$0x3FB3] =	sst s7  }
0x10: {  	[smem:$0x3FB4] =	sst s8  }
0x11: {  	[smem:$0x3FB5] =	sst s9;
	s0 =	simm.s32 @!p0 $0x0  }
0x12: {  	s1 =	sld [smem:$0x3F9B];
	s0 =	simm.s32 @p0 $0x1  }
0x13: {  	[smem:$0x3FB6] =	sst s0;
	s0 =	simm.s32 @!p1 $0x0  }
0x14: {  	s2 =	sld [smem:$0x3F9A];
	s0 =	simm.s32 @p1 $0x1  }
0x15: {  	[smem:$0x3FB7] =	sst s0;
	s0 =	simm.s32 @!p2 $0x0  }
0x16: {  	s3 =	sld [smem:$0x3FDB];
	s0 =	simm.s32 @p2 $0x1  }
0x17: {  	s4 =	simm.s32 $0x1BF5;
	[smem:$0x3FB9] =	sst s0  }
0x18: {  	s0 =	sld [smem:$0x3F9C];
	_ =	swait.ge [sflag:s4], $0x0  }
0x19: {  	s7 =	sld [smem:$0x3F9D]  }
0x1a: {  	s8 =	sadd.s32 $0xFFFFE003, lr  }
0x1b: {  	s9 =	sadd.s32 $0xFFFFFEF7, lr;
	s5 =	simm.s32 $0xFFFFFFFF;
	p2 =	slt.u32 s8, $0xFFFFF086  }
0x1c: {  	p1 =	slt.u32 s9, $0xF7A;
	s5 =	simm.s32 @!p2 $0x0  }
0x1d: {  	s5 =	simm.s32 @p1 $0x1;
	p0 =	seq.s32 s7, s2  }
0x1e: {  	s7 =	smul.u32 @!p0 $0xF7A, s2;
	p2 =	seq.s32 @!p0 s5, $0x0  }
0x1f: {  	s9 =	smul.u32 $0xF7A, s1;
	s8 =	simm.s32 @!p0 $0x1BF5;
	p2 =	por !p2, p0  }
0x20: {  	[sflag:s8] =	ssyncset.s32 @!p0 $0xFFFFF086;
	s6 =	sadd.s32 @!p0 s3, s7;
	s7 =	simm.s32 @!p0 $0x108  }
0x21: {  	s3 =	sadd.s32 s3, s9;
	s6 =	sadd.s32 @!p0 $0x88, s6;
	s7 =	simm.s32 @p2 $0x1082  }
0x22: {  	[simem:s7], [sflag:s8] =	dma.local @!p0 [hbm:s6], $0xF7A  }
0x23: {  	s9 =	sor.u32 $0xD0000000, s2;
	s6 =	simm.s32 $0x108;
	_ =	swait.ge @!p0 [sflag:s8], $0x0  }
0x24: {  	s3 =	sadd.s32 $0x88, s3;
	s6 =	simm.s32 @!p1 $0x1082;
	[sflag:s4] =	ssyncset.s32 $0xFFFFF086  }
0x25: {  	[simem:s6], [sflag:s4] =	dma.local [hbm:s3], $0xF7A  }
0x26: {  	[smem:$0x3F9D] =	sst s1;
	(tag) =	ssettag s2;
	_ =	strace s9  }
0x27: {  	s1 =	sld [smem:$0x3FAD]  }
0x28: {  	s2 =	sld [smem:$0x3FAE]  }
0x29: {  	s4 =	sld [smem:$0x3FB0]  }
0x2a: {  	p0 =	seq.s32 s5, $0x0;
	s5 =	sld [smem:$0x3FB1]  }
0x2b: {  	s6 =	sld [smem:$0x3FB2]  }
0x2c: {  	s7 =	sld [smem:$0x3FB3]  }
0x2d: {  	s3 =	simm.s32 $0x108;
	s8 =	sld [smem:$0x3FB4]  }
0x2e: {  	s3 =	simm.s32 @!p0 $0x1082;
	s9 =	sld [smem:$0x3FB5]  }
0x2f: {  	lr =	sadd.s32 s0, s3;
	s0 =	sld [smem:$0x3FAC]  }
0x30: {  	s3 =	sld [smem:$0x3FAF]  }
0x31: {  	[smem:$0x3FB8] =	sst s10  }
0x32: {  	s10 =	sld [smem:$0x3FB6];
	_ =	sdelay $0x3  }
0x33: {  	p0 =	seq.s32 s10, $0x1;
	s10 =	sld [smem:$0x3FB8];
	_ =	sdelay $0x3  }
0x34: {  	[smem:$0x3FB8] =	sst s10  }
0x35: {  	s10 =	sld [smem:$0x3FB7];
	_ =	sdelay $0x3  }
0x36: {  	p1 =	seq.s32 s10, $0x1;
	s10 =	sld [smem:$0x3FB8];
	_ =	sdelay $0x3  }
0x37: {  	[smem:$0x3FB8] =	sst s10  }
0x38: {  	s10 =	sld [smem:$0x3FB9]  }
0x39: {  	_ = 	snop;
	(pc) =	sbr.ind lr, $3  }
0x3a: {  	_ = 	snop  }
0x3b: {  	_ = 	snop  }
0x3c: {  	p2 =	seq.s32 s10, $0x1;
	s10 =	sld [smem:$0x3FB8]  }
0x3d: {  	_ =	shalt  }
0x3e: {  	_ =	shalt  }
0x3f: {  	_ =	shalt  }
0x40: {  	_ =	shalt  }
0x41: {  	_ =	shalt  }
0x42: {  	_ =	shalt  }
0x43: {  	_ =	shalt  }
0x44: {  	_ =	shalt  }
0x45: {  	_ =	shalt  }
0x46: {  	_ =	shalt  }
0x47: {  	_ =	shalt  }
0x48: {  	_ =	shalt  }
0x49: {  	_ =	shalt  }
0x4a: {  	_ =	shalt  }
0x4b: {  	_ =	shalt  }
0x4c: {  	_ =	shalt  }
0x4d: {  	_ =	shalt  }
0x4e: {  	_ =	shalt  }
0x4f: {  	_ =	shalt  }
0x50: {  	_ =	shalt  }
0x51: {  	_ =	shalt  }
0x52: {  	_ =	shalt  }
0x53: {  	_ =	shalt  }
0x54: {  	_ =	shalt  }
0x55: {  	_ =	shalt  }
0x56: {  	_ =	shalt  }
0x57: {  	_ =	shalt  }
0x58: {  	_ =	shalt  }
0x59: {  	_ =	shalt  }
0x5a: {  	_ =	shalt  }
0x5b: {  	_ =	shalt  }
0x5c: {  	_ =	shalt  }
0x5d: {  	_ =	shalt  }
0x5e: {  	_ =	shalt  }
0x5f: {  	_ =	shalt  }
0x60: {  	_ =	shalt  }
0x61: {  	_ =	shalt  }
0x62: {  	_ =	shalt  }
0x63: {  	_ =	shalt  }
0x64: {  	_ =	shalt  }
0x65: {  	_ =	shalt  }
0x66: {  	_ =	shalt  }
0x67: {  	_ =	shalt  }
0x68: {  	_ =	shalt  }
0x69: {  	_ =	shalt  }
0x6a: {  	_ =	shalt  }
0x6b: {  	_ =	shalt  }
0x6c: {  	_ =	shalt  }
0x6d: {  	_ =	shalt  }
0x6e: {  	_ =	shalt  }
0x6f: {  	_ =	shalt  }
0x70: {  	_ =	shalt  }
0x71: {  	_ =	shalt  }
0x72: {  	_ =	shalt  }
0x73: {  	_ =	shalt  }
0x74: {  	_ =	shalt  }
0x75: {  	_ =	shalt  }
0x76: {  	_ =	shalt  }
0x77: {  	_ =	shalt  }
0x78: {  	_ =	shalt  }
0x79: {  	_ =	shalt  }
0x7a: {  	_ =	shalt  }
0x7b: {  	_ =	shalt  }
0x7c: {  	_ =	shalt  }
0x7d: {  	_ =	shalt  }
0x7e: {  	_ =	shalt  }
0x7f: {  	_ =	shalt  }
0x80: {  	_ =	shalt  }
0x81: {  	_ =	shalt  }
0x82: {  	_ =	shalt  }
0x83: {  	_ =	shalt  }
0x84: {  	_ =	shalt  }
0x85: {  	_ =	shalt  }
0x86: {  	_ =	shalt  }
0x87: {  	_ =	shalt  }
.Lfunc_end0:
.L_simem_size_0:
called_computation.2_lowered:
.L_overlay_start_0:
0x88: {  	s2 =	sld [smem:$0x3FD9]  }
0x89: {  	s3 =	sld [smem:$0x3FFE];
	_ =	sdelay $0x1  }
0x8a: {  	s1 =	srdreg.scid  }
0x8b: {  	s0 =	sand.u32 $0x1, s1  }
0x8c: {  	s14 =	sshll.u32 s0, $0xA;
	s2 =	sadd.s32 s3, s2  }
0x8d: {  	s2 =	sadd.s32 s2, s14  }
0x8e: {  	[smem:$0x3FC4] =	sst s2  }
0x8f: {  	_ = 	snop  }
0x90: {  	s2 =	sld [smem:$0x3FD0];
	_ =	sdelay $0x2  }
0x91: {  	s15 =	simm.s32 $0xA;
	s4 =	simm.s32 $0x10  }
0x92: {  	[smem:s4], [sflag:s15] =	dma.local [hbm:s2], $0x1  }
0x93: {  	_ =	swait.eq [sflag:s15], $0x1  }
0x94: {  	[sflag:s15] =	ssyncset.done $0x0  }
0x95: {  	s16 =	sld [smem:$0x10];
	[sflag:s15] =	ssyncadd.s32 $0xFFFFFFFF  }
0x96: {  	s17 =	sld [smem:$0x11];
	(tm) =	ssettm $0x1  }
0x97: {  	s18 =	sld [smem:$0x3FFB];
	_ =	sdelay $0x3  }
0x98: {  	_ =	strace s18  }
0x99: {  	s4 =	sld [smem:$0x3FFC];
	_ =	sdelay $0x3  }
0x9a: {  	_ =	strace s4  }
0x9b: {  	s4 =	sld [smem:$0x3FFD];
	_ =	sdelay $0x3  }
0x9c: {  	_ =	strace s4  }
0x9d: {  	_ =	strace $0x8FFFFFFF  }
0x9e: {  	s19 =	sld [smem:$0x3FDB];
	_ =	sdelay $0x1  }
0x9f: {  	s5 =	simm.s32 $_scs_section_size  }
0xa0: {  	s6 =	simm.s32 $_size__tile_overlayer_lowered;
	s7 =	simm.s32 $_tile_overlayer_lowered  }
0xa1: {  	s22 =	simm.s32 $0x1BFF;
	s21 =	sshll.u32 s7, $0x1;
	s4 =	sadd.s32 s5, s19  }
0xa2: {  	s8 =	simm.s32 $0x0;
	s20 =	sshll.u32 s6, $0x1;
	s6 =	sadd.s32 s21, s4  }
0xa3: {  	[timem:s8], [sflag:s22] =	dma.local [hbm:s6], s20  }
0xa4: {  	_ =	swait.ge [sflag:s22], s20  }
0xa5: {  	s5 =	ssub.s32 $0x0, s20;
	[sflag:s22] =	ssyncset.done $0x0  }
0xa6: {  	[sflag:s22] =	ssyncadd.s32 s5;
	_ =	sdelay $0x1  }
0xa7: {  	s23 =	simm.s32 $0x1B8B  }
0xa8: {  	_ =	swait.ge [sflag:s23], $0x1  }
0xa9: {  	[sflag:s23] =	ssyncset.done $0x0  }
0xaa: {  	s25 =	simm.s32 $0x1B8E;
	s24 =	sld [smem:$0x3FFE];
	[sflag:s23] =	ssyncadd.s32 $0xFFFFFFFF  }
0xab: {  	s26 =	simm.s32 $execute0_lowered;
	[smem:$0x3FD2] =	sst s25  }
0xac: {  	s6 =	sshll.u32 s26, $0x1;
	_ =	strace $0x8000004C;
	[dreg:$0x1] =	wrdreg $0xFFFFFFFF  }
0xad: {  	s28 =	simm.s32 $_size_execute0_lowered;
	s4 =	sadd.s32 s4, s6;
	[dreg:$0x0] =	wrdreg $0x0  }
0xae: {  	s6 =	sshll.u32 s28, $0x1;
	[dreg:$0x2] =	wrdreg s4  }
0xaf: {  	[dreg:$0x3] =	wrdreg s6  }
0xb0: {  	[dreg:$0x4] =	wrdreg $0xC0  }
0xb1: {  	_ =	task [dreg:s8], $0x5FFFF  }
0xb2: {  	[dreg:$0x1] =	wrdreg $0xFFFFFFFF  }
0xb3: {  	[dreg:$0x0] =	wrdreg $0x60  }
0xb4: {  	[dreg:$0x2] =	wrdreg s24  }
0xb5: {  	[dreg:$0x3] =	wrdreg s17  }
0xb6: {  	[dreg:$0x4] =	wrdreg s16  }
0xb7: {  	[dreg:$0x5] =	wrdreg $0x11000  }
0xb8: {  	[dreg:$0x6] =	wrdreg $0x9  }
0xb9: {  	_ =	task.clear_ibuf [dreg:s8], $0x7FFFF;
	_ =	strace $0x9000004C  }
0xba: {  	s29 =	simm.s32 $0x9;
	_ =	strace $0x8000004E  }
0xbb: {  	_ =	swait.ge [sflag:s29], $0x1  }
0xbc: {  	[sflag:s29] =	ssyncadd.s32 $0xFFFFFFFF  }
0xbd: {  	_ =	strace $0x9000004E  }
0xbe: {  	_ =	sfence  }
0xbf: {  	s30 =	sld [smem:$0x0];
	_ =	sdelay $0x2  }
0xc0: {  	s31 =	sshll.u32 s1, $0xD;
	s1 =	sshrl.u32 s1, $0x2  }
0xc1: {  	s3 =	sand.u32 $0x4000, s31;
	s1 =	sadd.s32 s1, s30  }
0xc2: {  	s0 =	sor.u32 s3, s0;
	s1 =	sshll.u32 s1, $0x11  }
0xc3: {  	s0 =	sor.u32 s1, s0  }
0xc4: {  	s0 =	sadd.s32 $0x8F2B, s0  }
0xc5: {  	[sflag:s0] =	ssyncadd.remote.s32 $0x1  }
0xc6: {  	_ =	sfence.sel $0xFFFF  }
0xc7: {  	[dreg:$0x0] =	wrdreg $0xFFFFFFFF;
	(pc) =	sbr.abs _section_cstart, $3  }
0xc8: {  	[dreg:$0x1] =	wrdreg $0xFFFFFFFF  }
0xc9: {  	_ =	task.clear_ibuf [dreg:s8], $0x2FFFF;
	_ =	strace $0x9FFFFFFF  }
0xca: {  	(tm) =	ssettm $0x7FFFFFFF  }
0xcb: {  	_ =	shalt  }
tec
execute0_lowered:
.L_overlay_start_1:
0x0: {  	(tag) =	ssettag $0x1  }
0x1: {  	s6 =	rddreg [dreg:$0x0]  }
0x2: {  	s11 =	rddreg [dreg:$0x1]  }
0x3: {  	s10 =	rddreg [dreg:$0x2]  }
0x4: {  	s2 =	rddreg [dreg:$0x3]  }
0x5: {  	s0 =	rddreg [dreg:$0x4]  }
0x6: {  	s3 =	simm.s32 $0x0;
	s1 =	stileid.u32;
	s5 =	srdreg.scid  }
0x7: {  	s16 =	simm.s32 $0x1;
	s19 =	simm.s32 $0x0;
	s7 =	smul.u32 $0x30E0, s1  }
0x8: {  	[smem:$0x7FF] =	sst s3;
	s4 =	sadd.s32 $0x5A00, s6;
	s9 =	smul.u32 $0x61C00, s1  }
0x9: {  	s8 =	sand.u32 $0x1, s5;
	s5 =	sadd.s32 $0x2800, s6;
	s31 =	smul.u32 $0xC380, s1  }
0xa: {  	s14 =	sadd.s32 $0x64FA00, s6;
	s30 =	sshll.u32 s1, $0x6;
	s13 =	smul.u32 $0xC3800, s8  }
0xb: {  	s17 =	sadd.s32 $0x16E900, s2;
	p0 =	seq.s32 s1, $0xF;
	s15 =	smul.u32 $0x30D40, s8  }
0xc: {  	_ =	strace $0x8000004D;
	s12 =	ssub.s32 $0x2, s8;
	s8 =	smul.u32 $0x186A00, s8  }
0xd: {  	s6 =	sor.u32 $0x1C02, s30;
	s28 =	sshrl.u32 s12, $0x1;
	s29 =	sshrl.u32 s9, $0x2  }
0xe: {  	s17 =	sshrl.u32 @p0 s17, $0x3;
	s12 =	ssub.s32 s12, s28;
	s18 =	sadd.s32 s29, s2  }
0xf: {  	s7 =	sadd.s32 s7, s15;
	s8 =	sshrl.u32 s8, $0x3;
	s9 =	sadd.s32 s31, s13  }
0x10: {  	s15 =	simm.s32 $0x100;
	s7 =	sadd.s32 s14, s7;
	s8 =	sadd.s32 s14, s8  }
0x11: {  	s13 =	sshrl.u32 s9, $0x3;
	s9 =	smax.u32 s12, $0x1;
	s12 =	sshrl.u32 s18, $0x3  }
0x12: {  	s14 =	simm.s32 $0x80;
	s18 =	sshrl.u32 @!p0 s18, $0x3;
	s8 =	sadd.s32 $0x2DD20, s8  }
0x13: {  	s10 =	sadd.s32 s13, s10;
	s11 =	sadd.s32 s13, s11;
	s13 =	simm.s32 $0x2  }
.LBB2_1:
0x14: {  	[spmem:s12], [sflag:s6] =	dma.local [hbm:s5], $0x30E0  }
0x15: {  	_ =	swait.ge [sflag:s13], $0x30E0  }
0x16: {  	[sflag:s13] =	ssyncset.done $0x0  }
0x17: {  	[sflag:s13] =	ssyncadd.s32 $0xFFFFCF20  }
0x18: {  	s20 =	sadd.s32 $0x0, s11;
	[bflag:$0x0] =	sbarrier.arrive $0xFFFF  }
0x19: {  	[tilespmem:s3], [sflag:$0x2] =	stream.linear.gather [hbm4b:s20+s3], $0x80, $0x38;
	[tilespmem:$0x19800] =	vst v63  }
0x1a: {  	_ =	swait.ge [sflag:s13], $0x80  }
0x1b: {  	[sflag:s13] =	ssyncset.done $0x0  }
0x1c: {  	s31 =	sadd.s32 $0x0, s10;
	[sflag:s13] =	ssyncadd.s32 $0xFFFFFF80  }
0x1d: {  	[tilespmem:s14], [sflag:$0x2] =	stream.linear.gather [hbm4b:s31+s3], $0x80, $0x38;
	[tilespmem:$0x19800] =	vst v63  }
0x1e: {  	_ =	swait.ge [sflag:s13], $0x80  }
0x1f: {  	[sflag:s13] =	ssyncset.done $0x0  }
0x20: {  	[sflag:s13] =	ssyncadd.s32 $0xFFFFFF80  }
0x21: {  	[tilespmem:s15], [sflag:$0x1] =	stream.indirect.gather [hbm4b:s4+s14], $0x20, s3, s14, $0xb8;
	[tilespmem:$0x19800] =	vst v63  }
0x22: {  	_ =	swait.ge [sflag:s16], $0x1000  }
0x23: {  	[sflag:s16] =	ssyncset.done $0x0  }
0x24: {  	[sflag:s16] =	ssyncadd.s32 $0xFFFFF000  }
0x25: {  	[spmem:s2] =	stream.indirect.scatter.add.f32 [tilespmem:s15], [sflag:$0x2], $0x20, s14, s14, $0xb8;
	[tilespmem:$0x19800] =	vst v63  }
0x26: {  	_ =	swait.ge [sflag:s13], $0x1000  }
0x27: {  	s21 =	simm.s32 $0x20;
	s20 =	simm.s32 $0x10;
	[sflag:s13] =	ssyncset.done $0x0  }
.LBB2_2:
0x28: {  	s22 =	sadd.s32 s20, s11  }
0x29: {  	[sflag:s13] =	ssyncadd.s32 $0xFFFFF000;
	s23 =	smov.u32 s21;
	s24 =	sadd.s32 $0x10, s21  }
0x2a: {  	[tilespmem:s3], [sflag:$0x2] =	stream.linear.gather [hbm4b:s22+s3], $0x80, $0x38;
	[tilespmem:$0x19800] =	vst v63  }
0x2b: {  	p1 =	sne.s32 s21, $0x1860;
	_ =	swait.ge [sflag:s13], $0x80  }
0x2c: {  	[sflag:s13] =	ssyncset.done $0x0  }
0x2d: {  	s21 =	sadd.s32 s20, s10;
	s20 =	smov.u32 s23;
	[sflag:s13] =	ssyncadd.s32 $0xFFFFFF80  }
0x2e: {  	[tilespmem:s14], [sflag:$0x2] =	stream.linear.gather [hbm4b:s21+s3], $0x80, $0x38;
	[tilespmem:$0x19800] =	vst v63  }
0x2f: {  	_ =	swait.ge [sflag:s13], $0x80  }
0x30: {  	[sflag:s13] =	ssyncset.done $0x0  }
0x31: {  	[sflag:s13] =	ssyncadd.s32 $0xFFFFFF80  }
0x32: {  	[tilespmem:s15], [sflag:$0x1] =	stream.indirect.gather [hbm4b:s4+s14], $0x20, s3, s14, $0xb8;
	[tilespmem:$0x19800] =	vst v63  }
0x33: {  	_ =	swait.ge [sflag:s16], $0x1000  }
.Ltmp0:
0x34: {  	[sflag:s16] =	ssyncset.done $0x0;
	(pc) =	sbr.rel @p1 .LBB2_2-.Ltmp0, $4  }
0x35: {  	[sflag:s16] =	ssyncadd.s32 $0xFFFFF000  }
0x36: {  	[spmem:s2] =	stream.indirect.scatter.add.f32 [tilespmem:s15], [sflag:$0x2], $0x20, s14, s14, $0xb8;
	[tilespmem:$0x19800] =	vst v63  }
0x37: {  	_ =	swait.ge [sflag:s13], $0x1000  }
0x38: {  	s21 =	smov.u32 s24;
	[sflag:s13] =	ssyncset.done $0x0  }
0x39: {  	s21 =	sadd.s32 s20, s11;
	[sflag:s13] =	ssyncadd.s32 $0xFFFFF000  }
0x3a: {  	[tilespmem:s3], [sflag:$0x2] =	stream.linear.gather [hbm4b:s21+s3], $0x80, $0x38;
	[tilespmem:$0x19800] =	vst v63  }
0x3b: {  	_ =	swait.ge [sflag:s13], $0x80  }
0x3c: {  	[sflag:s13] =	ssyncset.done $0x0  }
0x3d: {  	s31 =	sadd.s32 s20, s10;
	[sflag:s13] =	ssyncadd.s32 $0xFFFFFF80  }
0x3e: {  	[tilespmem:s14], [sflag:$0x2] =	stream.linear.gather [hbm4b:s31+s3], $0x80, $0x38;
	[tilespmem:$0x19800] =	vst v63  }
0x3f: {  	_ =	swait.ge [sflag:s13], $0x80  }
0x40: {  	[sflag:s13] =	ssyncset.done $0x0  }
0x41: {  	[sflag:s13] =	ssyncadd.s32 $0xFFFFFF80  }
0x42: {  	[tilespmem:s15], [sflag:$0x1] =	stream.indirect.gather [hbm4b:s4+s14], $0x20, s3, s14, $0xb8;
	[tilespmem:$0x19800] =	vst v63  }
0x43: {  	_ =	swait.ge [sflag:s16], $0x1000  }
0x44: {  	[sflag:s16] =	ssyncset.done $0x0  }
0x45: {  	[sflag:s16] =	ssyncadd.s32 $0xFFFFF000  }
0x46: {  	[spmem:s2] =	stream.indirect.scatter.add.f32 [tilespmem:s15], [sflag:$0x2], $0x20, s14, s14, $0xb8;
	[tilespmem:$0x19800] =	vst v63  }
0x47: {  	_ =	swait.ge [sflag:s13], $0x1000  }
0x48: {  	[sflag:s13] =	ssyncset.done $0x0  }
0x49: {  	[sflag:s13] =	ssyncadd.s32 $0xFFFFF000  }
0x4a: {  	s20 =	simm.s32 @p0 $0x2;
	[bflag:$0x0] =	sbarrier.arrive $0xFFFF  }
0x4b: {  	[hbm:s8], [sflag:s6] =	dma.local @p0 [spmem:s17], $0x3020  }
0x4c: {  	s19 =	sadd.s32 $0x1, s19;
	_ =	swait.ge @p0 [sflag:s20], $0x3020  }
0x4d: {  	p1 =	sne.s32 s19, s9;
	[sflag:s20] =	ssyncset.done @p0 $0x0  }
.Ltmp1:
0x4e: {  	[sflag:s20] =	ssyncadd.s32 @p0 $0xFFFFCFE0;
	s20 =	simm.s32 @!p0 $0x2;
	(pc) =	sbr.rel @p1 .LBB2_1-.Ltmp1, $4  }
0x4f: {  	[hbm:s7], [sflag:s6] =	dma.local @!p0 [spmem:s18], $0x30E0  }
0x50: {  	_ =	swait.ge @!p0 [sflag:s20], $0x30E0  }
0x51: {  	[sflag:s20] =	ssyncset.done @!p0 $0x0  }
0x52: {  	[sflag:s20] =	ssyncadd.s32 @!p0 $0xFFFFCF20  }
0x53: {  	_ =	sfence.sel $0x180000  }
0x54: {  	[bflag:$0x0] =	sbarrier.arrive $0xFFFF  }
0x55: {  	p0 =	sne.s32 s1, $0x0;
	_ =	strace $0x9000004D  }
0x56: {  	s0 =	sadd.s32 @!p0 $0x100000, s0;
	[bflag:$0x2] =	sbarrier.arrive $0xFFFF  }
0x57: {  	[sflag:s0] =	ssyncadd.tile.s32 @!p0 $0x1;
	_ =	shalt  }
.Lfunc_end2:
_tile_overlayer_lowered:
.L_overlay_start_2:
0x58: {  	(tag) =	ssettag $0x2  }
0x59: {  	s0 =	rddreg [dreg:$0x0];
	s2 =	stileid.u32  }
0x5a: {  	s1 =	rddreg [dreg:$0x1];
	p0 =	sne.s32 s2, $0x0  }
0x5b: {  	s3 =	rddreg [dreg:$0x2];
	[bflag:$0x3] =	sbarrier.arrive $0xFFFF;
	s2 =	simm.s32 @!p0 $0x1C02  }
0x5c: {  	[timem:s3], [sflag:s2] =	dma.local @!p0 [hbm:s0], s1  }
0x5d: {  	s0 =	simm.s32 @!p0 $0x2  }
0x5e: {  	_ =	swait.ge @!p0 [sflag:s0], s1  }
0x5f: {  	s1 =	ssub.s32 @!p0 $0x0, s1;
	[sflag:s0] =	ssyncset.done @!p0 $0x0  }
0x60: {  	[sflag:s0] =	ssyncadd.s32 @!p0 s1  }
0x61: {  	[bflag:$0x3] =	sbarrier.arrive $0xFFFF  }
0x62: {  	_ =	shalt  }

// kernel: kernel.8.cloned.1.call-start
scs
__scs_entry_jumppad:
0x0: {  	(pc) =	sbr.rel $0x88, $3  }
0x1: {  	(tag) =	ssettag $0x0;
	lr =	simm.s32 $0x1  }
0x2: {  	[smem:$0x3F9D] =	sst lr;
	_ =	strace $0xD0000000  }
0x3: {  	_ = 	snop  }
0x4: {  	_ = 	snop  }
0x5: {  	_ = 	snop  }
0x6: {  	_ = 	snop  }
0x7: {  	_ = 	snop  }
__scs_overlays_trampoline_lowered:
0x8: {  	[smem:$0x3FAC] =	sst s0  }
0x9: {  	[smem:$0x3FAD] =	sst s1  }
0xa: {  	[smem:$0x3FAE] =	sst s2  }
0xb: {  	[smem:$0x3FAF] =	sst s3  }
0xc: {  	[smem:$0x3FB0] =	sst s4  }
0xd: {  	[smem:$0x3FB1] =	sst s5  }
0xe: {  	[smem:$0x3FB2] =	sst s6  }
0xf: {  	[smem:$0x3FB3] =	sst s7  }
0x10: {  	[smem:$0x3FB4] =	sst s8  }
0x11: {  	[smem:$0x3FB5] =	sst s9;
	s0 =	simm.s32 @!p0 $0x0  }
0x12: {  	s1 =	sld [smem:$0x3F9B];
	s0 =	simm.s32 @p0 $0x1  }
0x13: {  	[smem:$0x3FB6] =	sst s0;
	s0 =	simm.s32 @!p1 $0x0  }
0x14: {  	s2 =	sld [smem:$0x3F9A];
	s0 =	simm.s32 @p1 $0x1  }
0x15: {  	[smem:$0x3FB7] =	sst s0;
	s0 =	simm.s32 @!p2 $0x0  }
0x16: {  	s3 =	sld [smem:$0x3FDB];
	s0 =	simm.s32 @p2 $0x1  }
0x17: {  	s4 =	simm.s32 $0x1BF5;
	[smem:$0x3FB9] =	sst s0  }
0x18: {  	s0 =	sld [smem:$0x3F9C];
	_ =	swait.ge [sflag:s4], $0x0  }
0x19: {  	s7 =	sld [smem:$0x3F9D]  }
0x1a: {  	s8 =	sadd.s32 $0xFFFFE003, lr  }
0x1b: {  	s9 =	sadd.s32 $0xFFFFFEF7, lr;
	s5 =	simm.s32 $0xFFFFFFFF;
	p2 =	slt.u32 s8, $0xFFFFF086  }
0x1c: {  	p1 =	slt.u32 s9, $0xF7A;
	s5 =	simm.s32 @!p2 $0x0  }
0x1d: {  	s5 =	simm.s32 @p1 $0x1;
	p0 =	seq.s32 s7, s2  }
0x1e: {  	s7 =	smul.u32 @!p0 $0xF7A, s2;
	p2 =	seq.s32 @!p0 s5, $0x0  }
0x1f: {  	s9 =	smul.u32 $0xF7A, s1;
	s8 =	simm.s32 @!p0 $0x1BF5;
	p2 =	por !p2, p0  }
0x20: {  	[sflag:s8] =	ssyncset.s32 @!p0 $0xFFFFF086;
	s6 =	sadd.s32 @!p0 s3, s7;
	s7 =	simm.s32 @!p0 $0x108  }
0x21: {  	s3 =	sadd.s32 s3, s9;
	s6 =	sadd.s32 @!p0 $0x88, s6;
	s7 =	simm.s32 @p2 $0x1082  }
0x22: {  	[simem:s7], [sflag:s8] =	dma.local @!p0 [hbm:s6], $0xF7A  }
0x23: {  	s9 =	sor.u32 $0xD0000000, s2;
	s6 =	simm.s32 $0x108;
	_ =	swait.ge @!p0 [sflag:s8], $0x0  }
0x24: {  	s3 =	sadd.s32 $0x88, s3;
	s6 =	simm.s32 @!p1 $0x1082;
	[sflag:s4] =	ssyncset.s32 $0xFFFFF086  }
0x25: {  	[simem:s6], [sflag:s4] =	dma.local [hbm:s3], $0xF7A  }
0x26: {  	[smem:$0x3F9D] =	sst s1;
	(tag) =	ssettag s2;
	_ =	strace s9  }
0x27: {  	s1 =	sld [smem:$0x3FAD]  }
0x28: {  	s2 =	sld [smem:$0x3FAE]  }
0x29: {  	s4 =	sld [smem:$0x3FB0]  }
0x2a: {  	p0 =	seq.s32 s5, $0x0;
	s5 =	sld [smem:$0x3FB1]  }
0x2b: {  	s6 =	sld [smem:$0x3FB2]  }
0x2c: {  	s7 =	sld [smem:$0x3FB3]  }
0x2d: {  	s3 =	simm.s32 $0x108;
	s8 =	sld [smem:$0x3FB4]  }
0x2e: {  	s3 =	simm.s32 @!p0 $0x1082;
	s9 =	sld [smem:$0x3FB5]  }
0x2f: {  	lr =	sadd.s32 s0, s3;
	s0 =	sld [smem:$0x3FAC]  }
0x30: {  	s3 =	sld [smem:$0x3FAF]  }
0x31: {  	[smem:$0x3FB8] =	sst s10  }
0x32: {  	s10 =	sld [smem:$0x3FB6];
	_ =	sdelay $0x3  }
0x33: {  	p0 =	seq.s32 s10, $0x1;
	s10 =	sld [smem:$0x3FB8];
	_ =	sdelay $0x3  }
0x34: {  	[smem:$0x3FB8] =	sst s10  }
0x35: {  	s10 =	sld [smem:$0x3FB7];
	_ =	sdelay $0x3  }
0x36: {  	p1 =	seq.s32 s10, $0x1;
	s10 =	sld [smem:$0x3FB8];
	_ =	sdelay $0x3  }
0x37: {  	[smem:$0x3FB8] =	sst s10  }
0x38: {  	s10 =	sld [smem:$0x3FB9]  }
0x39: {  	_ = 	snop;
	(pc) =	sbr.ind lr, $3  }
0x3a: {  	_ = 	snop  }
0x3b: {  	_ = 	snop  }
0x3c: {  	p2 =	seq.s32 s10, $0x1;
	s10 =	sld [smem:$0x3FB8]  }
0x3d: {  	_ =	shalt  }
0x3e: {  	_ =	shalt  }
0x3f: {  	_ =	shalt  }
0x40: {  	_ =	shalt  }
0x41: {  	_ =	shalt  }
0x42: {  	_ =	shalt  }
0x43: {  	_ =	shalt  }
0x44: {  	_ =	shalt  }
0x45: {  	_ =	shalt  }
0x46: {  	_ =	shalt  }
0x47: {  	_ =	shalt  }
0x48: {  	_ =	shalt  }
0x49: {  	_ =	shalt  }
0x4a: {  	_ =	shalt  }
0x4b: {  	_ =	shalt  }
0x4c: {  	_ =	shalt  }
0x4d: {  	_ =	shalt  }
0x4e: {  	_ =	shalt  }
0x4f: {  	_ =	shalt  }
0x50: {  	_ =	shalt  }
0x51: {  	_ =	shalt  }
0x52: {  	_ =	shalt  }
0x53: {  	_ =	shalt  }
0x54: {  	_ =	shalt  }
0x55: {  	_ =	shalt  }
0x56: {  	_ =	shalt  }
0x57: {  	_ =	shalt  }
0x58: {  	_ =	shalt  }
0x59: {  	_ =	shalt  }
0x5a: {  	_ =	shalt  }
0x5b: {  	_ =	shalt  }
0x5c: {  	_ =	shalt  }
0x5d: {  	_ =	shalt  }
0x5e: {  	_ =	shalt  }
0x5f: {  	_ =	shalt  }
0x60: {  	_ =	shalt  }
0x61: {  	_ =	shalt  }
0x62: {  	_ =	shalt  }
0x63: {  	_ =	shalt  }
0x64: {  	_ =	shalt  }
0x65: {  	_ =	shalt  }
0x66: {  	_ =	shalt  }
0x67: {  	_ =	shalt  }
0x68: {  	_ =	shalt  }
0x69: {  	_ =	shalt  }
0x6a: {  	_ =	shalt  }
0x6b: {  	_ =	shalt  }
0x6c: {  	_ =	shalt  }
0x6d: {  	_ =	shalt  }
0x6e: {  	_ =	shalt  }
0x6f: {  	_ =	shalt  }
0x70: {  	_ =	shalt  }
0x71: {  	_ =	shalt  }
0x72: {  	_ =	shalt  }
0x73: {  	_ =	shalt  }
0x74: {  	_ =	shalt  }
0x75: {  	_ =	shalt  }
0x76: {  	_ =	shalt  }
0x77: {  	_ =	shalt  }
0x78: {  	_ =	shalt  }
0x79: {  	_ =	shalt  }
0x7a: {  	_ =	shalt  }
0x7b: {  	_ =	shalt  }
0x7c: {  	_ =	shalt  }
0x7d: {  	_ =	shalt  }
0x7e: {  	_ =	shalt  }
0x7f: {  	_ =	shalt  }
0x80: {  	_ =	shalt  }
0x81: {  	_ =	shalt  }
0x82: {  	_ =	shalt  }
0x83: {  	_ =	shalt  }
0x84: {  	_ =	shalt  }
0x85: {  	_ =	shalt  }
0x86: {  	_ =	shalt  }
0x87: {  	_ =	shalt  }
.Lfunc_end0:
.L_simem_size_0:
called_computation_lowered:
.L_overlay_start_0:
0x88: {  	s2 =	sld [smem:$0x3FD9]  }
0x89: {  	s3 =	sld [smem:$0x3FFE];
	_ =	sdelay $0x1  }
0x8a: {  	s1 =	srdreg.scid  }
0x8b: {  	s0 =	sand.u32 $0x1, s1  }
0x8c: {  	s14 =	sshll.u32 s0, $0xA;
	s2 =	sadd.s32 s3, s2  }
0x8d: {  	s2 =	sadd.s32 s2, s14  }
0x8e: {  	[smem:$0x3FC4] =	sst s2  }
0x8f: {  	_ = 	snop  }
0x90: {  	s2 =	sld [smem:$0x3FD0];
	_ =	sdelay $0x2  }
0x91: {  	s15 =	simm.s32 $0xA;
	s4 =	simm.s32 $0x10  }
0x92: {  	[smem:s4], [sflag:s15] =	dma.local [hbm:s2], $0x1  }
0x93: {  	_ =	swait.eq [sflag:s15], $0x1  }
0x94: {  	[sflag:s15] =	ssyncset.done $0x0  }
0x95: {  	[sflag:s15] =	ssyncadd.s32 $0xFFFFFFFF  }
0x96: {  	s16 =	sld [smem:$0x10];
	(tm) =	ssettm $0x1  }
0x97: {  	s17 =	sld [smem:$0x3FFB];
	_ =	sdelay $0x3  }
0x98: {  	_ =	strace s17  }
0x99: {  	s3 =	sld [smem:$0x3FFC];
	_ =	sdelay $0x3  }
0x9a: {  	_ =	strace s3  }
0x9b: {  	s3 =	sld [smem:$0x3FFD];
	_ =	sdelay $0x3  }
0x9c: {  	_ =	strace s3  }
0x9d: {  	_ =	strace $0x8FFFFFFF  }
0x9e: {  	s18 =	sld [smem:$0x3FDB];
	_ =	sdelay $0x1  }
0x9f: {  	s19 =	simm.s32 $_scs_section_size  }
0xa0: {  	s5 =	simm.s32 $_size__tile_overlayer_lowered;
	s6 =	simm.s32 $_tile_overlayer_lowered  }
0xa1: {  	s22 =	simm.s32 $0x1BFF;
	s21 =	sshll.u32 s6, $0x1;
	s3 =	sadd.s32 s19, s18  }
0xa2: {  	s7 =	simm.s32 $0x0;
	s20 =	sshll.u32 s5, $0x1;
	s5 =	sadd.s32 s21, s3  }
0xa3: {  	[timem:s7], [sflag:s22] =	dma.local [hbm:s5], s20  }
0xa4: {  	_ =	swait.ge [sflag:s22], s20  }
0xa5: {  	s4 =	ssub.s32 $0x0, s20;
	[sflag:s22] =	ssyncset.done $0x0  }
0xa6: {  	[sflag:s22] =	ssyncadd.s32 s4;
	_ =	sdelay $0x1  }
0xa7: {  	s23 =	simm.s32 $0x1B8B  }
0xa8: {  	_ =	swait.ge [sflag:s23], $0x1  }
0xa9: {  	[sflag:s23] =	ssyncset.done $0x0  }
0xaa: {  	s25 =	simm.s32 $0x1B8E;
	s24 =	sld [smem:$0x3FFE];
	[sflag:s23] =	ssyncadd.s32 $0xFFFFFFFF  }
0xab: {  	s26 =	simm.s32 $execute0_lowered;
	[smem:$0x3FD2] =	sst s25  }
0xac: {  	s5 =	sshll.u32 s26, $0x1;
	_ =	strace $0x80000046;
	[dreg:$0x1] =	wrdreg $0xFFFFFFFF  }
0xad: {  	s28 =	simm.s32 $_size_execute0_lowered;
	s3 =	sadd.s32 s3, s5;
	[dreg:$0x0] =	wrdreg $0x0  }
0xae: {  	s5 =	sshll.u32 s28, $0x1;
	[dreg:$0x2] =	wrdreg s3  }
0xaf: {  	[dreg:$0x3] =	wrdreg s5  }
0xb0: {  	[dreg:$0x4] =	wrdreg $0xC0  }
0xb1: {  	_ =	task [dreg:s7], $0x5FFFF  }
0xb2: {  	[dreg:$0x1] =	wrdreg $0xFFFFFFFF  }
0xb3: {  	[dreg:$0x0] =	wrdreg $0x60  }
0xb4: {  	[dreg:$0x2] =	wrdreg s16  }
0xb5: {  	[dreg:$0x3] =	wrdreg s24  }
0xb6: {  	[dreg:$0x4] =	wrdreg $0x8800  }
0xb7: {  	[dreg:$0x5] =	wrdreg $0x9  }
0xb8: {  	_ =	task.clear_ibuf [dreg:s7], $0x6FFFF;
	_ =	strace $0x90000046  }
0xb9: {  	s29 =	simm.s32 $0x9;
	_ =	strace $0x80000048  }
0xba: {  	_ =	swait.ge [sflag:s29], $0x1  }
0xbb: {  	[sflag:s29] =	ssyncadd.s32 $0xFFFFFFFF  }
0xbc: {  	_ =	strace $0x90000048  }
0xbd: {  	_ =	sfence  }
0xbe: {  	s30 =	sld [smem:$0x0];
	_ =	sdelay $0x2  }
0xbf: {  	s31 =	sshll.u32 s1, $0xD;
	s1 =	sshrl.u32 s1, $0x2  }
0xc0: {  	s3 =	sand.u32 $0x4000, s31;
	s1 =	sadd.s32 s1, s30  }
0xc1: {  	s0 =	sor.u32 s3, s0;
	s1 =	sshll.u32 s1, $0x11  }
0xc2: {  	s0 =	sor.u32 s1, s0  }
0xc3: {  	s0 =	sadd.s32 $0x8F2B, s0  }
0xc4: {  	[sflag:s0] =	ssyncadd.remote.s32 $0x1  }
0xc5: {  	_ =	sfence.sel $0xFFFF  }
0xc6: {  	[dreg:$0x0] =	wrdreg $0xFFFFFFFF;
	(pc) =	sbr.abs _section_cstart, $3  }
0xc7: {  	[dreg:$0x1] =	wrdreg $0xFFFFFFFF  }
0xc8: {  	_ =	task.clear_ibuf [dreg:s7], $0x2FFFF;
	_ =	strace $0x9FFFFFFF  }
0xc9: {  	(tm) =	ssettm $0x7FFFFFFF  }
tec
execute0_lowered:
.L_overlay_start_1:
0x0: {  	(tag) =	ssettag $0x1  }
0x1: {  	s9 =	rddreg [dreg:$0x0]  }
0x2: {  	s6 =	rddreg [dreg:$0x1]  }
0x3: {  	s2 =	rddreg [dreg:$0x2]  }
0x4: {  	s0 =	rddreg [dreg:$0x3]  }
0x5: {  	s1 =	stileid.u32;
	s3 =	simm.s32 $0x0;
	s4 =	srdreg.scid  }
0x6: {  	s16 =	simm.s32 $0x0;
	s7 =	smul.u32 $0x1870, s1;
	[smem:$0x7FF] =	sst s3  }
0x7: {  	s8 =	sand.u32 $0x1, s4;
	s10 =	smul.u32 $0x30E00, s1;
	s4 =	sadd.s32 $0x2800, s6  }
0x8: {  	s5 =	sadd.s32 $0x2A00, s6;
	s12 =	smul.u32 $0xC380, s1;
	s6 =	sadd.s32 $0x4400, s6  }
0x9: {  	s31 =	sshll.u32 s1, $0x6;
	p0 =	seq.s32 s1, $0xF;
	s11 =	smul.u32 $0xC3800, s8  }
0xa: {  	_ =	strace $0x80000047;
	s13 =	ssub.s32 $0x2, s8;
	s14 =	smul.u32 $0xC3500, s8  }
0xb: {  	s8 =	smul.u32 $0x186A0, s8;
	s15 =	sshrl.u32 s13, $0x1;
	s10 =	sshrl.u32 s10, $0x2  }
0xc: {  	s13 =	ssub.s32 s13, s15;
	s15 =	sadd.s32 s10, s2;
	s28 =	sshrl.u32 s14, $0x3  }
0xd: {  	s7 =	sadd.s32 s7, s8;
	s30 =	sadd.s32 s12, s11;
	s14 =	sadd.s32 $0xB7480, s2  }
0xe: {  	s11 =	simm.s32 $0x1;
	s12 =	sor.u32 $0x1C01, s31;
	s29 =	sadd.s32 s6, s28  }
0xf: {  	s6 =	sadd.s32 s6, s7;
	s10 =	sshrl.u32 s30, $0x3;
	s8 =	smax.u32 s13, $0x1  }
0x10: {  	s13 =	sshrl.u32 s15, $0x3;
	s14 =	sshrl.u32 @p0 s14, $0x3;
	s15 =	sshrl.u32 @!p0 s15, $0x3  }
0x11: {  	s7 =	sadd.s32 $0x16E90, s29;
	s9 =	sadd.s32 s10, s9;
	s10 =	simm.s32 $0x80  }
.LBB2_1:
0x12: {  	[tilespmem:s10], [sflag:$0x1] =	stream.linear.gather [hbm4b:s4+s3], $0x800, $0x38;
	[tilespmem:$0xCC00] =	vst v63  }
0x13: {  	_ =	swait.ge [sflag:s11], $0x800  }
0x14: {  	[sflag:s11] =	ssyncset.done $0x0  }
0x15: {  	[sflag:s11] =	ssyncadd.s32 $0xFFFFF800  }
0x16: {  	[spmem:s13], [sflag:s12] =	dma.local [hbm:s5], $0x1870  }
0x17: {  	_ =	swait.ge [sflag:s11], $0x1870  }
0x18: {  	[sflag:s11] =	ssyncset.done $0x0  }
0x19: {  	[sflag:s11] =	ssyncadd.s32 $0xFFFFE790  }
0x1a: {  	s17 =	sadd.s32 $0x0, s9;
	[bflag:$0x0] =	sbarrier.arrive $0xFFFF  }
0x1b: {  	[tilespmem:s3], [sflag:$0x1] =	stream.linear.gather [hbm4b:s17+s3], $0x80, $0x38;
	[tilespmem:$0xCC00] =	vst v63  }
0x1c: {  	_ =	swait.ge [sflag:s11], $0x80  }
0x1d: {  	[sflag:s11] =	ssyncset.done $0x0  }
0x1e: {  	[sflag:s11] =	ssyncadd.s32 $0xFFFFFF80  }
0x1f: {  	[spmem:s2] =	stream.indirect.scatter.add.f32 [tilespmem:s10], [sflag:$0x1], $0x10, s3, s10, $0xb8;
	[tilespmem:$0xCC00] =	vst v63  }
0x20: {  	_ =	swait.ge [sflag:s11], $0x800  }
0x21: {  	s18 =	simm.s32 $0x20;
	s17 =	simm.s32 $0x10;
	[sflag:s11] =	ssyncset.done $0x0  }
.LBB2_2:
0x22: {  	s19 =	sadd.s32 s17, s9  }
0x23: {  	[sflag:s11] =	ssyncadd.s32 $0xFFFFF800;
	s17 =	smov.u32 s18;
	s20 =	sadd.s32 $0x10, s18  }
0x24: {  	[tilespmem:s3], [sflag:$0x1] =	stream.linear.gather [hbm4b:s19+s3], $0x80, $0x38;
	[tilespmem:$0xCC00] =	vst v63  }
0x25: {  	p1 =	sne.s32 s18, $0x1860;
	_ =	swait.ge [sflag:s11], $0x80  }
.Ltmp0:
0x26: {  	[sflag:s11] =	ssyncset.done $0x0;
	(pc) =	sbr.rel @p1 .LBB2_2-.Ltmp0, $4  }
0x27: {  	[sflag:s11] =	ssyncadd.s32 $0xFFFFFF80  }
0x28: {  	[spmem:s2] =	stream.indirect.scatter.add.f32 [tilespmem:s10], [sflag:$0x1], $0x10, s3, s10, $0xb8;
	[tilespmem:$0xCC00] =	vst v63  }
0x29: {  	_ =	swait.ge [sflag:s11], $0x800  }
0x2a: {  	s18 =	smov.u32 s20;
	[sflag:s11] =	ssyncset.done $0x0  }
0x2b: {  	s17 =	sadd.s32 s17, s9;
	[sflag:s11] =	ssyncadd.s32 $0xFFFFF800  }
0x2c: {  	[tilespmem:s3], [sflag:$0x1] =	stream.linear.gather [hbm4b:s17+s3], $0x80, $0x38;
	[tilespmem:$0xCC00] =	vst v63  }
0x2d: {  	_ =	swait.ge [sflag:s11], $0x80  }
0x2e: {  	[sflag:s11] =	ssyncset.done $0x0  }
0x2f: {  	[sflag:s11] =	ssyncadd.s32 $0xFFFFFF80  }
0x30: {  	[spmem:s2] =	stream.indirect.scatter.add.f32 [tilespmem:s10], [sflag:$0x1], $0x10, s3, s10, $0xb8;
	[tilespmem:$0xCC00] =	vst v63  }
0x31: {  	_ =	swait.ge [sflag:s11], $0x800  }
0x32: {  	[sflag:s11] =	ssyncset.done $0x0  }
0x33: {  	[sflag:s11] =	ssyncadd.s32 $0xFFFFF800  }
0x34: {  	s17 =	simm.s32 @p0 $0x1;
	[bflag:$0x0] =	sbarrier.arrive $0xFFFF  }
0x35: {  	[hbm:s7], [sflag:s12] =	dma.local @p0 [spmem:s14], $0x1810  }
0x36: {  	s16 =	sadd.s32 $0x1, s16;
	_ =	swait.ge @p0 [sflag:s17], $0x1810  }
0x37: {  	p1 =	sne.s32 s16, s8;
	[sflag:s17] =	ssyncset.done @p0 $0x0  }
.Ltmp1:
0x38: {  	[sflag:s17] =	ssyncadd.s32 @p0 $0xFFFFE7F0;
	s17 =	simm.s32 @!p0 $0x1;
	(pc) =	sbr.rel @p1 .LBB2_1-.Ltmp1, $4  }
0x39: {  	[hbm:s6], [sflag:s12] =	dma.local @!p0 [spmem:s15], $0x1870  }
0x3a: {  	_ =	swait.ge @!p0 [sflag:s17], $0x1870  }
0x3b: {  	[sflag:s17] =	ssyncset.done @!p0 $0x0  }
0x3c: {  	[sflag:s17] =	ssyncadd.s32 @!p0 $0xFFFFE790  }
0x3d: {  	_ =	sfence.sel $0x180000  }
0x3e: {  	[bflag:$0x0] =	sbarrier.arrive $0xFFFF  }
0x3f: {  	p0 =	sne.s32 s1, $0x0;
	_ =	strace $0x90000047  }
0x40: {  	s0 =	sadd.s32 @!p0 $0x100000, s0;
	[bflag:$0x2] =	sbarrier.arrive $0xFFFF  }
0x41: {  	[sflag:s0] =	ssyncadd.tile.s32 @!p0 $0x1;
	_ =	shalt  }
.Lfunc_end2:
_tile_overlayer_lowered:
.L_overlay_start_2:
0x42: {  	(tag) =	ssettag $0x2  }
0x43: {  	s0 =	rddreg [dreg:$0x0];
	s2 =	stileid.u32  }
0x44: {  	s1 =	rddreg [dreg:$0x1];
	p0 =	sne.s32 s2, $0x0  }
0x45: {  	s3 =	rddreg [dreg:$0x2];
	[bflag:$0x3] =	sbarrier.arrive $0xFFFF;
	s2 =	simm.s32 @!p0 $0x1C01  }
0x46: {  	[timem:s3], [sflag:s2] =	dma.local @!p0 [hbm:s0], s1  }
0x47: {  	s0 =	simm.s32 @!p0 $0x1  }
0x48: {  	_ =	swait.ge @!p0 [sflag:s0], s1  }
0x49: {  	s1 =	ssub.s32 @!p0 $0x0, s1;
	[sflag:s0] =	ssyncset.done @!p0 $0x0  }
0x4a: {  	[sflag:s0] =	ssyncadd.s32 @!p0 s1  }
0x4b: {  	[bflag:$0x3] =	sbarrier.arrive $0xFFFF  }
0x4c: {  	_ =	shalt  }

</sc_bundles>
